<compile_context>
chip_gen: v7x
topology: tpu7x:2x2x1
jax: 0.10.2.dev20260603
libtpu: 0.0.44.dev20260713+nightly
codegen_flags: <defaults>
</compile_context>

<pallas_src>
import dataclasses
import functools

import jax
import jax.numpy as jnp
from jax import lax
from jax.experimental import pallas as pl
from jax.experimental.pallas import tpu as pltpu
from jax.experimental.pallas import tpu_sc as plsc

_RATIO = 3.0
_STANDARD = 0.1
_TOPK = 50.0

_L = 16
_CHUNK = 4096
_NBINS = 8192


def _tile_task(lab_row, prd_row, out_row, lab_buf, prd_buf, hist_cnt,
               hist_sum, acc, outv, n):
    nchunk = n // _CHUNK
    zeros = jnp.zeros((_L,), jnp.float32)

    @pl.loop(0, _NBINS // _L)
    def _(j):
        hist_cnt[pl.ds(j * _L, _L)] = zeros
        hist_sum[pl.ds(j * _L, _L)] = zeros

    acc[...] = zeros
    ones = jnp.ones((_L,), jnp.float32)

    @pl.loop(0, nchunk)
    def _(ci):
        off = ci * _CHUNK
        pltpu.sync_copy(lab_row.at[pl.ds(off, _CHUNK)], lab_buf)
        pltpu.sync_copy(prd_row.at[pl.ds(off, _CHUNK)], prd_buf)

        @pl.loop(0, _CHUNK // _L)
        def _(i):
            lv = lab_buf[pl.ds(i * _L, _L)]
            pv = prd_buf[pl.ds(i * _L, _L)]
            d = pv - lv
            loss = d * d
            acc[...] = acc[...] + loss
            neg = lv < _STANDARD
            bi = jnp.minimum((loss * _NBINS).astype(jnp.int32), _NBINS - 1)
            plsc.addupdate_scatter(hist_cnt, [bi], ones, mask=neg)
            plsc.addupdate_scatter(hist_sum, [bi], loss, mask=neg)

    def tot_body(j, cs):
        cv, sv = cs
        sl = pl.ds(j * _L, _L)
        return (cv + hist_cnt[sl], sv + hist_sum[sl])

    cntv, sumv = lax.fori_loop(0, _NBINS // _L, tot_body, (zeros, zeros))
    cnt_neg = jnp.sum(cntv)
    sum_neg = jnp.sum(sumv)
    sum_all = jnp.sum(acc[...])
    num_pos = jnp.float32(n) - cnt_neg

    k_f = jnp.where(num_pos == 0.0, _TOPK, _RATIO * num_pos)
    need_walk = (num_pos == 0.0) | (cnt_neg >= _RATIO * num_pos)
    zero = jnp.float32(0.0)

    def do_walk(_):
        def cond(st):
            j, cacc, _sacc = st
            return (j >= 0) & (cacc < k_f)

        def body(st):
            j, cacc, sacc = st
            sl = pl.ds(j * _L, _L)
            return (j - 1, cacc + jnp.sum(hist_cnt[sl]),
                    sacc + jnp.sum(hist_sum[sl]))

        jf, cacc, sacc = lax.while_loop(
            cond, body, (jnp.int32(_NBINS // _L - 1), jnp.float32(0.0),
                         jnp.float32(0.0)))
        sl = pl.ds((jf + 1) * _L, _L)
        cv = hist_cnt[sl]
        sv = hist_sum[sl]
        cacc_excl = cacc - jnp.sum(cv)
        sacc_excl = sacc - jnp.sum(sv)
        need = k_f - cacc_excl
        rcv = lax.rev(cv, (0,))
        rsv = lax.rev(sv, (0,))
        ccnt = plsc.cumsum(rcv)
        csum = plsc.cumsum(rsv)
        istar = plsc.all_reduce_ffs(ccnt >= need)
        sel = lax.iota(jnp.int32, _L) == istar
        pick = lambda v: jnp.sum(jnp.where(sel, v, 0.0))
        cnt_b = pick(rcv)
        sum_b = pick(rsv)
        above_c = pick(ccnt) - cnt_b
        above_s = pick(csum) - sum_b
        return (sacc_excl + above_s, need - above_c, sum_b, cnt_b)

    topk_base, partial_cnt, sum_b, cnt_b = lax.cond(
        need_walk, do_walk, lambda _: (zero, zero, zero, zero), 0)

    lane = lax.iota(jnp.int32, _L)
    vals = (sum_all, cnt_neg, sum_neg, topk_base, partial_cnt, sum_b, cnt_b)
    ov = jnp.zeros((_L,), jnp.float32)
    for i, v in enumerate(vals):
        ov = jnp.where(lane == i, v, ov)
    outv[...] = ov
    pltpu.sync_copy(outv, out_row)


def _ohem_sc(rl, al, rp, ap):
    b, n = rl.shape
    mesh = plsc.VectorSubcoreMesh(core_axis_name="c", subcore_axis_name="s")
    cp = pltpu.CompilerParams()
    if "needs_layout_passes" in pltpu.CompilerParams.__dataclass_fields__:
        cp = dataclasses.replace(cp, needs_layout_passes=False)

    @functools.partial(
        pl.kernel,
        compiler_params=cp,
        out_type=jax.ShapeDtypeStruct((2 * b, _L), jnp.float32),
        mesh=mesh,
        scratch_types=[
            pltpu.VMEM((_CHUNK,), jnp.float32),
            pltpu.VMEM((_CHUNK,), jnp.float32),
            pltpu.VMEM((_NBINS,), jnp.float32),
            pltpu.VMEM((_NBINS,), jnp.float32),
            pltpu.VMEM((_L,), jnp.float32),
            pltpu.VMEM((_L,), jnp.float32),
        ],
    )
    def k(rl_h, al_h, rp_h, ap_h, out_h, lab_buf, prd_buf, hist_cnt,
          hist_sum, acc, outv):
        c = lax.axis_index("c")
        s = lax.axis_index("s")
        unit = c * b + s

        @pl.when(c == 0)
        def _():
            _tile_task(rl_h.at[s], rp_h.at[s], out_h.at[unit], lab_buf,
                       prd_buf, hist_cnt, hist_sum, acc, outv, n)

        @pl.when(c == 1)
        def _():
            _tile_task(al_h.at[s], ap_h.at[s], out_h.at[unit], lab_buf,
                       prd_buf, hist_cnt, hist_sum, acc, outv, n)

    return k(rl, al, rp, ap)


def kernel(region_label, affinity_label, region_pred, affinity_pred):
    b = region_label.shape[0]
    n = region_label.size // b
    rl = region_label.reshape(b, n)
    al = affinity_label.reshape(b, n)
    rp = region_pred.reshape(b, n)
    ap = affinity_pred.reshape(b, n)
    out = _ohem_sc(rl, al, rp, ap)
    sum_all, cnt_neg, sum_neg = out[:, 0], out[:, 1], out[:, 2]
    topk_base, partial_cnt, sum_b, cnt_b = (out[:, 3], out[:, 4], out[:, 5],
                                            out[:, 6])
    num_pos = n - cnt_neg
    k_f = jnp.where(num_pos == 0.0, _TOPK, _RATIO * num_pos)
    mean_pos = (sum_all - sum_neg) / jnp.maximum(num_pos, 1.0)
    mean_neg = sum_neg / jnp.maximum(cnt_neg, 1.0)
    topk_sum = topk_base + partial_cnt * sum_b / jnp.maximum(cnt_b, 1.0)
    mean_topk = topk_sum / k_f
    branch_b = mean_pos + jnp.where(cnt_neg < _RATIO * num_pos, mean_neg,
                                    mean_topk)
    res = jnp.where(num_pos == 0.0, mean_topk, branch_b)
    total = (jnp.sum(res[:b]) + jnp.sum(res[b:])) / b
    mean_region = jnp.sum(sum_all[:b]) / (b * n)
    mean_affinity = jnp.sum(sum_all[b:]) / (b * n)
    return total, mean_region, mean_affinity

# --- scband reference (transcript-rebuilt; emitter-appended) ---
"""Pipeline reference for scband-ohemloss-5050881540318 (READ-ONLY COPY).

The authoritative reference and input builder live on the scoring server;
editing this copy changes nothing except your own understanding.
"""

import jax, jax.numpy as jnp
import numpy as np

RATIO = 3
STANDARD = 0.1
TOPK = 50


def _batch_loss(pixelwise_loss, score_label):
    B = pixelwise_loss.shape[0]
    loss_flat = pixelwise_loss.reshape(B, -1)
    label_flat = score_label.reshape(B, -1)
    N = loss_flat.shape[1]
    total = jnp.float32(0.0)
    for b in range(B):
        l = loss_flat[b]
        lab = label_flat[b]
        pos = lab >= STANDARD
        neg = jnp.logical_not(pos)
        num_pos = jnp.sum(pos)
        num_neg = jnp.sum(neg)
        # Branch A: no positive pixels -> mean of top-k over all pixel losses
        topk_all = jax.lax.top_k(l, TOPK)[0]
        branch_a = jnp.mean(topk_all)
        # Branch B: positives exist
        mean_pos = jnp.sum(jnp.where(pos, l, 0.0)) / jnp.maximum(num_pos, 1).astype(l.dtype)
        mean_neg = jnp.sum(jnp.where(neg, l, 0.0)) / jnp.maximum(num_neg, 1).astype(l.dtype)
        # mean of top (ratio*num_pos) negative losses, dynamic k via sort + cumsum
        # MSE losses are >= 0, so -1.0 is a safe sentinel for non-negative-mask entries
        neg_vals = jnp.where(neg, l, -1.0)
        sorted_desc = jnp.sort(neg_vals)[::-1]
        valid = (sorted_desc >= 0.0).astype(l.dtype)
        csum = jnp.cumsum(sorted_desc * valid)
        k = RATIO * num_pos
        k_safe = jnp.clip(k, 1, N)
        mean_topk_neg = csum[k_safe - 1] / k_safe.astype(l.dtype)
        branch_b = mean_pos + jnp.where(num_neg < RATIO * num_pos, mean_neg, mean_topk_neg)
        total = total + jnp.where(num_pos == 0, branch_a, branch_b)
    return total


def setup_inputs(seed: int = 0) -> dict:
    key = jax.random.key(seed)
    ks = jax.random.split(key, 4)
    B, H, W = 16, 512, 512
    # labels in [0, 0.15) so that both positive (>=0.1) and negative (<0.1) pixels
    # occur and both the plain-mean and top-k negative branches get exercised
    region_label = jax.random.uniform(ks[0], (B, H, W), jnp.float32, 0.0, 0.15)
    affinity_label = jax.random.uniform(ks[1], (B, H, W), jnp.float32, 0.0, 0.15)
    region_pred = jax.random.uniform(ks[2], (B, H, W), jnp.float32)
    affinity_pred = jax.random.uniform(ks[3], (B, H, W), jnp.float32)
    return {
        "region_label": region_label,
        "affinity_label": affinity_label,
        "region_pred": region_pred,
        "affinity_pred": affinity_pred,
    }


def reference(region_label, affinity_label, region_pred, affinity_pred):
    batch_size = region_label.shape[0]
    assert region_label.shape == region_pred.shape
    assert affinity_label.shape == affinity_pred.shape
    region_loss = (region_pred - region_label) ** 2
    affinity_loss = (affinity_pred - affinity_label) ** 2
    region_ohem = _batch_loss(region_loss, region_label)
    affinity_ohem = _batch_loss(affinity_loss, affinity_label)
    return (
        region_ohem / batch_size + affinity_ohem / batch_size,
        jnp.mean(region_loss.reshape(-1)),
        jnp.mean(affinity_loss.reshape(-1)),
    )

if __name__ == "__main__":
    import jax
    _d = setup_inputs()
    print(jax.jit(kernel)(*tuple(_d.values())))

</pallas_src>

<mosaic_0001>
#map = affine_map<(d0, d1) -> (0, 0)>
module attributes {stable_mosaic.version = 14 : i64} {
  func.func @k(%arg0: i32, %arg1: i32, %arg2: memref<16x262144xf32, #tpu.memory_space<hbm>>, %arg3: memref<16x262144xf32, #tpu.memory_space<hbm>>, %arg4: memref<16x262144xf32, #tpu.memory_space<hbm>>, %arg5: memref<16x262144xf32, #tpu.memory_space<hbm>>, %arg6: memref<32x16xf32, #tpu.memory_space<hbm>>, %arg7: memref<4096xf32, #tpu.memory_space<vmem>>, %arg8: memref<4096xf32, #tpu.memory_space<vmem>>, %arg9: memref<8192xf32, #tpu.memory_space<vmem>>, %arg10: memref<8192xf32, #tpu.memory_space<vmem>>, %arg11: memref<16xf32, #tpu.memory_space<vmem>>, %arg12: memref<16xf32, #tpu.memory_space<vmem>>) attributes {dimension_semantics = [#tpu.dimension_semantics<core_parallel>, #tpu.dimension_semantics<subcore_parallel>], iteration_bounds = array<i64: 2, 16>, scalar_prefetch = 0 : i64, scratch_operands = 6 : i64, tpu.core_type = #tpu.core_type<sc_vector_subcore>, window_params = [{transform_indices = #map}, {transform_indices = #map}, {transform_indices = #map}, {transform_indices = #map}, {transform_indices = #map}]} {
    %mul3A = arith.constant 16 : i32
    %mul3A_0 = arith.muli %arg0, %mul3A : i32
    %add3A = arith.addi %mul3A_0, %arg1 : i32
    %eq3A = arith.constant 0 : i32
    %eq3A_1 = arith.cmpi eq, %arg0, %eq3A : i32
    %convert_element_type3A = arith.extui %eq3A_1 : i1 to i32
    %cond3A = arith.constant 0 : i32
    %cond3A_2 = arith.cmpi ne, %convert_element_type3A, %cond3A : i32
    scf.if %cond3A_2 {
      %broadcast_in_dim3A = arith.constant 0.000000e+00 : f32
      %broadcast_in_dim3A_8 = vector.broadcast %broadcast_in_dim3A : f32 to vector<16xf32>
      %scan3A = arith.constant 0 : i32
      %scan3A_9 = arith.constant 512 : i32
      %scan3A_10 = arith.addi %scan3A, %scan3A_9 : i32
      %scan3A_11 = arith.constant 1 : i32
      scf.for %scan3A_93 = %scan3A to %scan3A_10 step %scan3A_11  : i32 {
        %mul3A_94 = arith.constant 1 : i32
        %mul3A_95 = arith.muli %scan3A_93, %mul3A_94 : i32
        %add3A_96 = arith.constant 0 : i32
        %add3A_97 = arith.addi %add3A_96, %mul3A_95 : i32
        %mul3A_98 = arith.constant 16 : i32
        %mul3A_99 = arith.muli %add3A_97, %mul3A_98 : i32
        %swap3A_100 = arith.index_cast %mul3A_99 : i32 to index
        %swap3A_101 = tpu.vector_load %arg9[%swap3A_100] {strides = array<i32>} : memref<8192xf32, #tpu.memory_space<vmem>>, vector<16xf32>,
        tpu.vector_store %arg9[%swap3A_100], %broadcast_in_dim3A_8 {strides = array<i32>} : memref<8192xf32, #tpu.memory_space<vmem>>, vector<16xf32>,
        %mul3A_102 = arith.constant 16 : i32
        %mul3A_103 = arith.muli %add3A_97, %mul3A_102 : i32
        %swap3A_104 = arith.index_cast %mul3A_103 : i32 to index
        %swap3A_105 = tpu.vector_load %arg10[%swap3A_104] {strides = array<i32>} : memref<8192xf32, #tpu.memory_space<vmem>>, vector<16xf32>,
        tpu.vector_store %arg10[%swap3A_104], %broadcast_in_dim3A_8 {strides = array<i32>} : memref<8192xf32, #tpu.memory_space<vmem>>, vector<16xf32>,
      }
      %scan3A_12 = arith.constant 512 : i32
      %swap3A = arith.constant 0 : index
      %swap3A_13 = tpu.vector_load %arg11[%swap3A] {strides = array<i32>} : memref<16xf32, #tpu.memory_space<vmem>>, vector<16xf32>,
      tpu.vector_store %arg11[%swap3A], %broadcast_in_dim3A_8 {strides = array<i32>} : memref<16xf32, #tpu.memory_space<vmem>>, vector<16xf32>,
      %broadcast_in_dim3A_14 = arith.constant 1.000000e+00 : f32
      %broadcast_in_dim3A_15 = vector.broadcast %broadcast_in_dim3A_14 : f32 to vector<16xf32>
      %scan3A_16 = arith.constant 0 : i32
      %scan3A_17 = arith.constant 64 : i32
      %scan3A_18 = arith.addi %scan3A_16, %scan3A_17 : i32
      %scan3A_19 = arith.constant 1 : i32
      scf.for %scan3A_93 = %scan3A_16 to %scan3A_18 step %scan3A_19  : i32 {
        %mul3A_94 = arith.constant 1 : i32
        %mul3A_95 = arith.muli %scan3A_93, %mul3A_94 : i32
        %add3A_96 = arith.constant 0 : i32
        %add3A_97 = arith.addi %add3A_96, %mul3A_95 : i32
        %mul3A_98 = arith.constant 4096 : i32
        %mul3A_99 = arith.muli %add3A_97, %mul3A_98 : i32
        "tpu.region"() ({
          %run_scoped3A = tpu.sem_alloc : memref<!tpu.dma_semaphore, #tpu.memory_space<semaphore_mem>>
          %dma_start3A = arith.constant 0 : i32
          %dma_start3A_105 = tpu.memref_slice %arg2[%arg1, %dma_start3A] : memref<16x262144xf32, #tpu.memory_space<hbm>> -> memref<1x262144xf32, #tpu.memory_space<hbm>>
          %dma_start3A_106 = tpu.memref_squeeze %dma_start3A_105 : memref<1x262144xf32, #tpu.memory_space<hbm>> -> memref<262144xf32, #tpu.memory_space<hbm>>
          %dma_start3A_107 = tpu.memref_slice %dma_start3A_106[%mul3A_99] : memref<262144xf32, #tpu.memory_space<hbm>> -> memref<4096xf32, #tpu.memory_space<hbm>>
          %dma_start3A_108 = arith.constant 0 : i32
          %dma_start3A_109 = tpu.memref_slice %arg2[%arg1, %dma_start3A_108] : memref<16x262144xf32, #tpu.memory_space<hbm>> -> memref<1x262144xf32, #tpu.memory_space<hbm>>
          %dma_start3A_110 = tpu.memref_squeeze %dma_start3A_109 : memref<1x262144xf32, #tpu.memory_space<hbm>> -> memref<262144xf32, #tpu.memory_space<hbm>>
          %dma_start3A_111 = tpu.memref_slice %dma_start3A_110[%mul3A_99] : memref<262144xf32, #tpu.memory_space<hbm>> -> memref<4096xf32, #tpu.memory_space<hbm>>
          tpu.enqueue_dma source(%dma_start3A_111 : memref<4096xf32, #tpu.memory_space<hbm>>) target(%arg7 : memref<4096xf32, #tpu.memory_space<vmem>>) target_semaphore(%run_scoped3A : memref<!tpu.dma_semaphore, #tpu.memory_space<semaphore_mem>>)
          %dma_wait3A = arith.constant 0 : i32
          %dma_wait3A_112 = tpu.memref_slice %arg2[%arg1, %dma_wait3A] : memref<16x262144xf32, #tpu.memory_space<hbm>> -> memref<1x262144xf32, #tpu.memory_space<hbm>>
          %dma_wait3A_113 = tpu.memref_squeeze %dma_wait3A_112 : memref<1x262144xf32, #tpu.memory_space<hbm>> -> memref<262144xf32, #tpu.memory_space<hbm>>
          %dma_wait3A_114 = tpu.memref_slice %dma_wait3A_113[%mul3A_99] : memref<262144xf32, #tpu.memory_space<hbm>> -> memref<4096xf32, #tpu.memory_space<hbm>>
          %dma_wait3A_115 = arith.constant 0 : i32
          %dma_wait3A_116 = tpu.memref_slice %arg2[%arg1, %dma_wait3A_115] : memref<16x262144xf32, #tpu.memory_space<hbm>> -> memref<1x262144xf32, #tpu.memory_space<hbm>>
          %dma_wait3A_117 = tpu.memref_squeeze %dma_wait3A_116 : memref<1x262144xf32, #tpu.memory_space<hbm>> -> memref<262144xf32, #tpu.memory_space<hbm>>
          %dma_wait3A_118 = tpu.memref_slice %dma_wait3A_117[%mul3A_99] : memref<262144xf32, #tpu.memory_space<hbm>> -> memref<4096xf32, #tpu.memory_space<hbm>>
          tpu.wait_dma2 semaphore(%run_scoped3A : memref<!tpu.dma_semaphore, #tpu.memory_space<semaphore_mem>>) src(%dma_wait3A_118 : memref<4096xf32, #tpu.memory_space<hbm>>) dst(%arg7 : memref<4096xf32, #tpu.memory_space<vmem>>)
          tpu.yield
        }) : () -> ()
        "tpu.region"() ({
          %run_scoped3A = tpu.sem_alloc : memref<!tpu.dma_semaphore, #tpu.memory_space<semaphore_mem>>
          %dma_start3A = arith.constant 0 : i32
          %dma_start3A_105 = tpu.memref_slice %arg4[%arg1, %dma_start3A] : memref<16x262144xf32, #tpu.memory_space<hbm>> -> memref<1x262144xf32, #tpu.memory_space<hbm>>
          %dma_start3A_106 = tpu.memref_squeeze %dma_start3A_105 : memref<1x262144xf32, #tpu.memory_space<hbm>> -> memref<262144xf32, #tpu.memory_space<hbm>>
          %dma_start3A_107 = tpu.memref_slice %dma_start3A_106[%mul3A_99] : memref<262144xf32, #tpu.memory_space<hbm>> -> memref<4096xf32, #tpu.memory_space<hbm>>
          %dma_start3A_108 = arith.constant 0 : i32
          %dma_start3A_109 = tpu.memref_slice %arg4[%arg1, %dma_start3A_108] : memref<16x262144xf32, #tpu.memory_space<hbm>> -> memref<1x262144xf32, #tpu.memory_space<hbm>>
          %dma_start3A_110 = tpu.memref_squeeze %dma_start3A_109 : memref<1x262144xf32, #tpu.memory_space<hbm>> -> memref<262144xf32, #tpu.memory_space<hbm>>
          %dma_start3A_111 = tpu.memref_slice %dma_start3A_110[%mul3A_99] : memref<262144xf32, #tpu.memory_space<hbm>> -> memref<4096xf32, #tpu.memory_space<hbm>>
          tpu.enqueue_dma source(%dma_start3A_111 : memref<4096xf32, #tpu.memory_space<hbm>>) target(%arg8 : memref<4096xf32, #tpu.memory_space<vmem>>) target_semaphore(%run_scoped3A : memref<!tpu.dma_semaphore, #tpu.memory_space<semaphore_mem>>)
          %dma_wait3A = arith.constant 0 : i32
          %dma_wait3A_112 = tpu.memref_slice %arg4[%arg1, %dma_wait3A] : memref<16x262144xf32, #tpu.memory_space<hbm>> -> memref<1x262144xf32, #tpu.memory_space<hbm>>
          %dma_wait3A_113 = tpu.memref_squeeze %dma_wait3A_112 : memref<1x262144xf32, #tpu.memory_space<hbm>> -> memref<262144xf32, #tpu.memory_space<hbm>>
          %dma_wait3A_114 = tpu.memref_slice %dma_wait3A_113[%mul3A_99] : memref<262144xf32, #tpu.memory_space<hbm>> -> memref<4096xf32, #tpu.memory_space<hbm>>
          %dma_wait3A_115 = arith.constant 0 : i32
          %dma_wait3A_116 = tpu.memref_slice %arg4[%arg1, %dma_wait3A_115] : memref<16x262144xf32, #tpu.memory_space<hbm>> -> memref<1x262144xf32, #tpu.memory_space<hbm>>
          %dma_wait3A_117 = tpu.memref_squeeze %dma_wait3A_116 : memref<1x262144xf32, #tpu.memory_space<hbm>> -> memref<262144xf32, #tpu.memory_space<hbm>>
          %dma_wait3A_118 = tpu.memref_slice %dma_wait3A_117[%mul3A_99] : memref<262144xf32, #tpu.memory_space<hbm>> -> memref<4096xf32, #tpu.memory_space<hbm>>
          tpu.wait_dma2 semaphore(%run_scoped3A : memref<!tpu.dma_semaphore, #tpu.memory_space<semaphore_mem>>) src(%dma_wait3A_118 : memref<4096xf32, #tpu.memory_space<hbm>>) dst(%arg8 : memref<4096xf32, #tpu.memory_space<vmem>>)
          tpu.yield
        }) : () -> ()
        %scan3A_100 = arith.constant 0 : i32
        %scan3A_101 = arith.constant 256 : i32
        %scan3A_102 = arith.addi %scan3A_100, %scan3A_101 : i32
        %scan3A_103 = arith.constant 1 : i32
        scf.for %scan3A_105 = %scan3A_100 to %scan3A_102 step %scan3A_103  : i32 {
          %mul3A_106 = arith.constant 1 : i32
          %mul3A_107 = arith.muli %scan3A_105, %mul3A_106 : i32
          %add3A_108 = arith.constant 0 : i32
          %add3A_109 = arith.addi %add3A_108, %mul3A_107 : i32
          %mul3A_110 = arith.constant 16 : i32
          %mul3A_111 = arith.muli %add3A_109, %mul3A_110 : i32
          %get3A_112 = arith.index_cast %mul3A_111 : i32 to index
          %get3A_113 = tpu.vector_load %arg7[%get3A_112] {strides = array<i32>} : memref<4096xf32, #tpu.memory_space<vmem>>, vector<16xf32>,
          %mul3A_114 = arith.constant 16 : i32
          %mul3A_115 = arith.muli %add3A_109, %mul3A_114 : i32
          %get3A_116 = arith.index_cast %mul3A_115 : i32 to index
          %get3A_117 = tpu.vector_load %arg8[%get3A_116] {strides = array<i32>} : memref<4096xf32, #tpu.memory_space<vmem>>, vector<16xf32>,
          %sub3A_118 = arith.subf %get3A_117, %get3A_113 : vector<16xf32>
          %mul3A_119 = arith.mulf %sub3A_118, %sub3A_118 : vector<16xf32>
          %get3A_120 = arith.constant 0 : index
          %get3A_121 = tpu.vector_load %arg11[%get3A_120] {strides = array<i32>} : memref<16xf32, #tpu.memory_space<vmem>>, vector<16xf32>,
          %add3A_122 = arith.addf %get3A_121, %mul3A_119 : vector<16xf32>
          %swap3A_123 = arith.constant 0 : index
          %swap3A_124 = tpu.vector_load %arg11[%swap3A_123] {strides = array<i32>} : memref<16xf32, #tpu.memory_space<vmem>>, vector<16xf32>,
          tpu.vector_store %arg11[%swap3A_123], %add3A_122 {strides = array<i32>} : memref<16xf32, #tpu.memory_space<vmem>>, vector<16xf32>,
          %lt3A = arith.constant 1.000000e-01 : f32
          %lt3A_125 = vector.broadcast %lt3A : f32 to vector<16xf32>
          %lt3A_126 = arith.cmpf olt, %get3A_113, %lt3A_125 : vector<16xf32>
          %mul3A_127 = arith.constant 8.192000e+03 : f32
          %mul3A_128 = vector.broadcast %mul3A_127 : f32 to vector<16xf32>
          %mul3A_129 = arith.mulf %mul3A_119, %mul3A_128 : vector<16xf32>
          %convert_element_type3A_130 = arith.fptosi %mul3A_129 : vector<16xf32> to vector<16xi32>
          %min3A = arith.constant 8191 : i32
          %min3A_131 = vector.broadcast %min3A : i32 to vector<16xi32>
          %min3A_132 = arith.minsi %convert_element_type3A_130, %min3A_131 : vector<16xi32>
          tpu.vector_store_idx %arg9[%min3A_132], %broadcast_in_dim3A_15 masked %lt3A_126 {add = true} : memref<8192xf32, #tpu.memory_space<vmem>>[vector<16xi32>], vector<16xf32>, vector<16xi1>
          tpu.vector_store_idx %arg10[%min3A_132], %mul3A_119 masked %lt3A_126 {add = true} : memref<8192xf32, #tpu.memory_space<vmem>>[vector<16xi32>], vector<16xf32>, vector<16xi1>
        }
        %scan3A_104 = arith.constant 256 : i32
      }
      %scan3A_20 = arith.constant 64 : i32
      %scan3A_21 = arith.constant 0 : i32
      %scan3A_22 = arith.constant 512 : i32
      %scan3A_23 = arith.addi %scan3A_21, %scan3A_22 : i32
      %scan3A_24 = arith.constant 1 : i32
      %scan3A_25:2 = scf.for %scan3A_93 = %scan3A_21 to %scan3A_23 step %scan3A_24 iter_args(%scan3A_94 = %broadcast_in_dim3A_8, %scan3A_95 = %broadcast_in_dim3A_8) -> (vector<16xf32>, vector<16xf32>)  : i32 {
        %mul3A_96 = arith.constant 16 : i32
        %mul3A_97 = arith.muli %scan3A_93, %mul3A_96 : i32
        %get3A_98 = arith.index_cast %mul3A_97 : i32 to index
        %get3A_99 = tpu.vector_load %arg9[%get3A_98] {strides = array<i32>} : memref<8192xf32, #tpu.memory_space<vmem>>, vector<16xf32>,
        %add3A_100 = arith.addf %scan3A_94, %get3A_99 : vector<16xf32>
        %get3A_101 = arith.index_cast %mul3A_97 : i32 to index
        %get3A_102 = tpu.vector_load %arg10[%get3A_101] {strides = array<i32>} : memref<8192xf32, #tpu.memory_space<vmem>>, vector<16xf32>,
        %add3A_103 = arith.addf %scan3A_95, %get3A_102 : vector<16xf32>
        scf.yield %add3A_100, %add3A_103 : vector<16xf32>, vector<16xf32>
      }
      %scan3A_26 = arith.constant 512 : i32
      %reduce_sum3A = arith.constant true
      %reduce_sum3A_27 = vector.broadcast %reduce_sum3A : i1 to vector<16xi1>
      %reduce_sum3A_28 = tpu.scan <sum>, %scan3A_25#0 masked %reduce_sum3A_27 : vector<16xf32>, vector<16xi1> -> vector<16xf32>
      %reduce_sum3A_29 = vector.extract %reduce_sum3A_28[15] : f32 from vector<16xf32>
      %reduce_sum3A_30 = arith.constant true
      %reduce_sum3A_31 = vector.broadcast %reduce_sum3A_30 : i1 to vector<16xi1>
      %reduce_sum3A_32 = tpu.scan <sum>, %scan3A_25#1 masked %reduce_sum3A_31 : vector<16xf32>, vector<16xi1> -> vector<16xf32>
      %reduce_sum3A_33 = vector.extract %reduce_sum3A_32[15] : f32 from vector<16xf32>
      %get3A = arith.constant 0 : index
      %get3A_34 = tpu.vector_load %arg11[%get3A] {strides = array<i32>} : memref<16xf32, #tpu.memory_space<vmem>>, vector<16xf32>,
      %reduce_sum3A_35 = arith.constant true
      %reduce_sum3A_36 = vector.broadcast %reduce_sum3A_35 : i1 to vector<16xi1>
      %reduce_sum3A_37 = tpu.scan <sum>, %get3A_34 masked %reduce_sum3A_36 : vector<16xf32>, vector<16xi1> -> vector<16xf32>
      %reduce_sum3A_38 = vector.extract %reduce_sum3A_37[15] : f32 from vector<16xf32>
      %sub3A = arith.constant 2.621440e+05 : f32
      %sub3A_39 = arith.subf %sub3A, %reduce_sum3A_29 : f32
      %eq3A_40 = arith.constant 0.000000e+00 : f32
      %eq3A_41 = arith.cmpf oeq, %sub3A_39, %eq3A_40 : f32
      %mul3A_42 = arith.constant 3.000000e+00 : f32
      %mul3A_43 = arith.mulf %mul3A_42, %sub3A_39 : f32
      %jit3A = arith.constant 5.000000e+01 : f32
      %select_n3A = arith.select %eq3A_41, %jit3A, %mul3A_43 : f32
      %eq3A_44 = arith.constant 0.000000e+00 : f32
      %eq3A_45 = arith.cmpf oeq, %sub3A_39, %eq3A_44 : f32
      %mul3A_46 = arith.constant 3.000000e+00 : f32
      %mul3A_47 = arith.mulf %mul3A_46, %sub3A_39 : f32
      %ge3A = arith.cmpf oge, %reduce_sum3A_29, %mul3A_47 : f32
      %or3A = arith.ori %eq3A_45, %ge3A : i1
      %convert_element_type3A_48 = arith.extui %or3A : i1 to i32
      %cond3A_49 = arith.constant 0.000000e+00 : f32
      %cond3A_50 = arith.constant 0 : i32
      %cond3A_51 = arith.constant 0 : i32
      %cond3A_52 = arith.cmpi ne, %convert_element_type3A_48, %cond3A_51 : i32
      %cond3A_53:4 = scf.if %cond3A_52 -> (f32, f32, f32, f32) {
        %while3A = arith.constant 511 : i32
        %while3A_93 = arith.constant 0.000000e+00 : f32
        %while3A_94 = arith.constant 0.000000e+00 : f32
        %while3A_95:3 = scf.while (%while3A_165 = %while3A, %while3A_166 = %while3A_93, %while3A_167 = %while3A_94) : (i32, f32, f32) -> (i32, f32, f32) {
          %ge3A_168 = arith.constant 0 : i32
          %ge3A_169 = arith.cmpi sge, %while3A_165, %ge3A_168 : i32
          %lt3A = arith.cmpf olt, %while3A_166, %select_n3A : f32
          %and3A = arith.andi %ge3A_169, %lt3A : i1
          scf.condition(%and3A) %while3A_165, %while3A_166, %while3A_167 : i32, f32, f32
        } do {
        ^bb0(%while3A_165: i32, %while3A_166: f32, %while3A_167: f32):
          %mul3A_168 = arith.constant 16 : i32
          %mul3A_169 = arith.muli %while3A_165, %mul3A_168 : i32
          %sub3A_170 = arith.constant 1 : i32
          %sub3A_171 = arith.subi %while3A_165, %sub3A_170 : i32
          %get3A_172 = arith.index_cast %mul3A_169 : i32 to index
          %get3A_173 = tpu.vector_load %arg9[%get3A_172] {strides = array<i32>} : memref<8192xf32, #tpu.memory_space<vmem>>, vector<16xf32>,
          %reduce_sum3A_174 = arith.constant true
          %reduce_sum3A_175 = vector.broadcast %reduce_sum3A_174 : i1 to vector<16xi1>
          %reduce_sum3A_176 = tpu.scan <sum>, %get3A_173 masked %reduce_sum3A_175 : vector<16xf32>, vector<16xi1> -> vector<16xf32>
          %reduce_sum3A_177 = vector.extract %reduce_sum3A_176[15] : f32 from vector<16xf32>
          %add3A_178 = arith.addf %while3A_166, %reduce_sum3A_177 : f32
          %get3A_179 = arith.index_cast %mul3A_169 : i32 to index
          %get3A_180 = tpu.vector_load %arg10[%get3A_179] {strides = array<i32>} : memref<8192xf32, #tpu.memory_space<vmem>>, vector<16xf32>,
          %reduce_sum3A_181 = arith.constant true
          %reduce_sum3A_182 = vector.broadcast %reduce_sum3A_181 : i1 to vector<16xi1>
          %reduce_sum3A_183 = tpu.scan <sum>, %get3A_180 masked %reduce_sum3A_182 : vector<16xf32>, vector<16xi1> -> vector<16xf32>
          %reduce_sum3A_184 = vector.extract %reduce_sum3A_183[15] : f32 from vector<16xf32>
          %add3A_185 = arith.addf %while3A_167, %reduce_sum3A_184 : f32
          scf.yield %sub3A_171, %add3A_178, %add3A_185 : i32, f32, f32
        }
        %add3A_96 = arith.constant 1 : i32
        %add3A_97 = arith.addi %while3A_95#0, %add3A_96 : i32
        %mul3A_98 = arith.constant 16 : i32
        %mul3A_99 = arith.muli %add3A_97, %mul3A_98 : i32
        %get3A_100 = arith.index_cast %mul3A_99 : i32 to index
        %get3A_101 = tpu.vector_load %arg9[%get3A_100] {strides = array<i32>} : memref<8192xf32, #tpu.memory_space<vmem>>, vector<16xf32>,
        %get3A_102 = arith.index_cast %mul3A_99 : i32 to index
        %get3A_103 = tpu.vector_load %arg10[%get3A_102] {strides = array<i32>} : memref<8192xf32, #tpu.memory_space<vmem>>, vector<16xf32>,
        %reduce_sum3A_104 = arith.constant true
        %reduce_sum3A_105 = vector.broadcast %reduce_sum3A_104 : i1 to vector<16xi1>
        %reduce_sum3A_106 = tpu.scan <sum>, %get3A_101 masked %reduce_sum3A_105 : vector<16xf32>, vector<16xi1> -> vector<16xf32>
        %reduce_sum3A_107 = vector.extract %reduce_sum3A_106[15] : f32 from vector<16xf32>
        %sub3A_108 = arith.subf %while3A_95#1, %reduce_sum3A_107 : f32
        %reduce_sum3A_109 = arith.constant true
        %reduce_sum3A_110 = vector.broadcast %reduce_sum3A_109 : i1 to vector<16xi1>
        %reduce_sum3A_111 = tpu.scan <sum>, %get3A_103 masked %reduce_sum3A_110 : vector<16xf32>, vector<16xi1> -> vector<16xf32>
        %reduce_sum3A_112 = vector.extract %reduce_sum3A_111[15] : f32 from vector<16xf32>
        %sub3A_113 = arith.subf %while3A_95#2, %reduce_sum3A_112 : f32
        %sub3A_114 = arith.subf %select_n3A, %sub3A_108 : f32
        %rev3A = arith.constant 15 : i32
        %rev3A_115 = vector.broadcast %rev3A : i32 to vector<16xi32>
        %rev3A_116 = tpu.iota {dimensions = array<i32: 0>} : vector<16xi32>
        %rev3A_117 = arith.subi %rev3A_115, %rev3A_116 : vector<16xi32>
        %rev3A_118 = tpu.dynamic_gather %get3A_101[%rev3A_117] in [0] : vector<16xf32>, vector<16xi32> -> vector<16xf32>
        %rev3A_119 = arith.constant 15 : i32
        %rev3A_120 = vector.broadcast %rev3A_119 : i32 to vector<16xi32>
        %rev3A_121 = tpu.iota {dimensions = array<i32: 0>} : vector<16xi32>
        %rev3A_122 = arith.subi %rev3A_120, %rev3A_121 : vector<16xi32>
        %rev3A_123 = tpu.dynamic_gather %get3A_103[%rev3A_122] in [0] : vector<16xf32>, vector<16xi32> -> vector<16xf32>
        %broadcast_in_dim3A_124 = arith.constant true
        %broadcast_in_dim3A_125 = vector.broadcast %broadcast_in_dim3A_124 : i1 to vector<16xi1>
        %masked_cumsum3A = tpu.scan <sum>, %rev3A_118 masked %broadcast_in_dim3A_125 : vector<16xf32>, vector<16xi1> -> vector<16xf32>
        %broadcast_in_dim3A_126 = arith.constant true
        %broadcast_in_dim3A_127 = vector.broadcast %broadcast_in_dim3A_126 : i1 to vector<16xi1>
        %masked_cumsum3A_128 = tpu.scan <sum>, %rev3A_123 masked %broadcast_in_dim3A_127 : vector<16xf32>, vector<16xi1> -> vector<16xf32>
        %ge3A_129 = vector.broadcast %sub3A_114 : f32 to vector<16xf32>
        %ge3A_130 = arith.cmpf oge, %masked_cumsum3A, %ge3A_129 : vector<16xf32>
        %all_reduce_ffs3A = tpu.all_reduce %ge3A_130 {dim = 0 : i64, kind = #tpu.reduction_kind<find_first_set>} : vector<16xi1> -> vector<16xi32>
        %iota3A_131 = tpu.iota {dimensions = array<i32: 0>} : vector<16xi32>
        %eq3A_132 = arith.cmpi eq, %iota3A_131, %all_reduce_ffs3A : vector<16xi32>
        %jit3A_133 = arith.constant 0.000000e+00 : f32
        %broadcast_in_dim3A_134 = vector.broadcast %jit3A_133 : f32 to vector<16xf32>
        %select_n3A_135 = arith.select %eq3A_132, %rev3A_118, %broadcast_in_dim3A_134 : vector<16xi1>, vector<16xf32>
        %reduce_sum3A_136 = arith.constant true
        %reduce_sum3A_137 = vector.broadcast %reduce_sum3A_136 : i1 to vector<16xi1>
        %reduce_sum3A_138 = tpu.scan <sum>, %select_n3A_135 masked %reduce_sum3A_137 : vector<16xf32>, vector<16xi1> -> vector<16xf32>
        %reduce_sum3A_139 = vector.extract %reduce_sum3A_138[15] : f32 from vector<16xf32>
        %jit3A_140 = arith.constant 0.000000e+00 : f32
        %broadcast_in_dim3A_141 = vector.broadcast %jit3A_140 : f32 to vector<16xf32>
        %select_n3A_142 = arith.select %eq3A_132, %rev3A_123, %broadcast_in_dim3A_141 : vector<16xi1>, vector<16xf32>
        %reduce_sum3A_143 = arith.constant true
        %reduce_sum3A_144 = vector.broadcast %reduce_sum3A_143 : i1 to vector<16xi1>
        %reduce_sum3A_145 = tpu.scan <sum>, %select_n3A_142 masked %reduce_sum3A_144 : vector<16xf32>, vector<16xi1> -> vector<16xf32>
        %reduce_sum3A_146 = vector.extract %reduce_sum3A_145[15] : f32 from vector<16xf32>
        %jit3A_147 = arith.constant 0.000000e+00 : f32
        %broadcast_in_dim3A_148 = vector.broadcast %jit3A_147 : f32 to vector<16xf32>
        %select_n3A_149 = arith.select %eq3A_132, %masked_cumsum3A, %broadcast_in_dim3A_148 : vector<16xi1>, vector<16xf32>
        %reduce_sum3A_150 = arith.constant true
        %reduce_sum3A_151 = vector.broadcast %reduce_sum3A_150 : i1 to vector<16xi1>
        %reduce_sum3A_152 = tpu.scan <sum>, %select_n3A_149 masked %reduce_sum3A_151 : vector<16xf32>, vector<16xi1> -> vector<16xf32>
        %reduce_sum3A_153 = vector.extract %reduce_sum3A_152[15] : f32 from vector<16xf32>
        %sub3A_154 = arith.subf %reduce_sum3A_153, %reduce_sum3A_139 : f32
        %jit3A_155 = arith.constant 0.000000e+00 : f32
        %broadcast_in_dim3A_156 = vector.broadcast %jit3A_155 : f32 to vector<16xf32>
        %select_n3A_157 = arith.select %eq3A_132, %masked_cumsum3A_128, %broadcast_in_dim3A_156 : vector<16xi1>, vector<16xf32>
        %reduce_sum3A_158 = arith.constant true
        %reduce_sum3A_159 = vector.broadcast %reduce_sum3A_158 : i1 to vector<16xi1>
        %reduce_sum3A_160 = tpu.scan <sum>, %select_n3A_157 masked %reduce_sum3A_159 : vector<16xf32>, vector<16xi1> -> vector<16xf32>
        %reduce_sum3A_161 = vector.extract %reduce_sum3A_160[15] : f32 from vector<16xf32>
        %sub3A_162 = arith.subf %reduce_sum3A_161, %reduce_sum3A_146 : f32
        %add3A_163 = arith.addf %sub3A_113, %sub3A_162 : f32
        %sub3A_164 = arith.subf %sub3A_114, %sub3A_154 : f32
        scf.yield %add3A_163, %sub3A_164, %reduce_sum3A_146, %reduce_sum3A_139 : f32, f32, f32, f32
      } else {
        scf.yield %cond3A_49, %cond3A_49, %cond3A_49, %cond3A_49 : f32, f32, f32, f32
      }
      %iota3A = tpu.iota {dimensions = array<i32: 0>} : vector<16xi32>
      %broadcast_in_dim3A_54 = arith.constant 0.000000e+00 : f32
      %broadcast_in_dim3A_55 = vector.broadcast %broadcast_in_dim3A_54 : f32 to vector<16xf32>
      %eq3A_56 = arith.constant 0 : i32
      %eq3A_57 = vector.broadcast %eq3A_56 : i32 to vector<16xi32>
      %eq3A_58 = arith.cmpi eq, %iota3A, %eq3A_57 : vector<16xi32>
      %broadcast_in_dim3A_59 = vector.broadcast %reduce_sum3A_38 : f32 to vector<16xf32>
      %select_n3A_60 = arith.select %eq3A_58, %broadcast_in_dim3A_59, %broadcast_in_dim3A_55 : vector<16xi1>, vector<16xf32>
      %eq3A_61 = arith.constant 1 : i32
      %eq3A_62 = vector.broadcast %eq3A_61 : i32 to vector<16xi32>
      %eq3A_63 = arith.cmpi eq, %iota3A, %eq3A_62 : vector<16xi32>
      %broadcast_in_dim3A_64 = vector.broadcast %reduce_sum3A_29 : f32 to vector<16xf32>
      %select_n3A_65 = arith.select %eq3A_63, %broadcast_in_dim3A_64, %select_n3A_60 : vector<16xi1>, vector<16xf32>
      %eq3A_66 = arith.constant 2 : i32
      %eq3A_67 = vector.broadcast %eq3A_66 : i32 to vector<16xi32>
      %eq3A_68 = arith.cmpi eq, %iota3A, %eq3A_67 : vector<16xi32>
      %broadcast_in_dim3A_69 = vector.broadcast %reduce_sum3A_33 : f32 to vector<16xf32>
      %select_n3A_70 = arith.select %eq3A_68, %broadcast_in_dim3A_69, %select_n3A_65 : vector<16xi1>, vector<16xf32>
      %eq3A_71 = arith.constant 3 : i32
      %eq3A_72 = vector.broadcast %eq3A_71 : i32 to vector<16xi32>
      %eq3A_73 = arith.cmpi eq, %iota3A, %eq3A_72 : vector<16xi32>
      %broadcast_in_dim3A_74 = vector.broadcast %cond3A_53#0 : f32 to vector<16xf32>
      %select_n3A_75 = arith.select %eq3A_73, %broadcast_in_dim3A_74, %select_n3A_70 : vector<16xi1>, vector<16xf32>
      %eq3A_76 = arith.constant 4 : i32
      %eq3A_77 = vector.broadcast %eq3A_76 : i32 to vector<16xi32>
      %eq3A_78 = arith.cmpi eq, %iota3A, %eq3A_77 : vector<16xi32>
      %broadcast_in_dim3A_79 = vector.broadcast %cond3A_53#1 : f32 to vector<16xf32>
      %select_n3A_80 = arith.select %eq3A_78, %broadcast_in_dim3A_79, %select_n3A_75 : vector<16xi1>, vector<16xf32>
      %eq3A_81 = arith.constant 5 : i32
      %eq3A_82 = vector.broadcast %eq3A_81 : i32 to vector<16xi32>
      %eq3A_83 = arith.cmpi eq, %iota3A, %eq3A_82 : vector<16xi32>
      %broadcast_in_dim3A_84 = vector.broadcast %cond3A_53#2 : f32 to vector<16xf32>
      %select_n3A_85 = arith.select %eq3A_83, %broadcast_in_dim3A_84, %select_n3A_80 : vector<16xi1>, vector<16xf32>
      %eq3A_86 = arith.constant 6 : i32
      %eq3A_87 = vector.broadcast %eq3A_86 : i32 to vector<16xi32>
      %eq3A_88 = arith.cmpi eq, %iota3A, %eq3A_87 : vector<16xi32>
      %broadcast_in_dim3A_89 = vector.broadcast %cond3A_53#3 : f32 to vector<16xf32>
      %select_n3A_90 = arith.select %eq3A_88, %broadcast_in_dim3A_89, %select_n3A_85 : vector<16xi1>, vector<16xf32>
      %swap3A_91 = arith.constant 0 : index
      %swap3A_92 = tpu.vector_load %arg12[%swap3A_91] {strides = array<i32>} : memref<16xf32, #tpu.memory_space<vmem>>, vector<16xf32>,
      tpu.vector_store %arg12[%swap3A_91], %select_n3A_90 {strides = array<i32>} : memref<16xf32, #tpu.memory_space<vmem>>, vector<16xf32>,
      "tpu.region"() ({
        %run_scoped3A = tpu.sem_alloc : memref<!tpu.dma_semaphore, #tpu.memory_space<semaphore_mem>>
        %dma_start3A = arith.constant 0 : i32
        %dma_start3A_93 = tpu.memref_slice %arg6[%add3A, %dma_start3A] : memref<32x16xf32, #tpu.memory_space<hbm>> -> memref<1x16xf32, #tpu.memory_space<hbm>>
        %dma_start3A_94 = tpu.memref_squeeze %dma_start3A_93 : memref<1x16xf32, #tpu.memory_space<hbm>> -> memref<16xf32, #tpu.memory_space<hbm>>
        %dma_start3A_95 = arith.constant 0 : i32
        %dma_start3A_96 = tpu.memref_slice %arg6[%add3A, %dma_start3A_95] : memref<32x16xf32, #tpu.memory_space<hbm>> -> memref<1x16xf32, #tpu.memory_space<hbm>>
        %dma_start3A_97 = tpu.memref_squeeze %dma_start3A_96 : memref<1x16xf32, #tpu.memory_space<hbm>> -> memref<16xf32, #tpu.memory_space<hbm>>
        tpu.enqueue_dma source(%arg12 : memref<16xf32, #tpu.memory_space<vmem>>) target(%dma_start3A_97 : memref<16xf32, #tpu.memory_space<hbm>>) target_semaphore(%run_scoped3A : memref<!tpu.dma_semaphore, #tpu.memory_space<semaphore_mem>>)
        %dma_wait3A = arith.constant 0 : i32
        %dma_wait3A_98 = tpu.memref_slice %arg6[%add3A, %dma_wait3A] : memref<32x16xf32, #tpu.memory_space<hbm>> -> memref<1x16xf32, #tpu.memory_space<hbm>>
        %dma_wait3A_99 = tpu.memref_squeeze %dma_wait3A_98 : memref<1x16xf32, #tpu.memory_space<hbm>> -> memref<16xf32, #tpu.memory_space<hbm>>
        %dma_wait3A_100 = arith.constant 0 : i32
        %dma_wait3A_101 = tpu.memref_slice %arg6[%add3A, %dma_wait3A_100] : memref<32x16xf32, #tpu.memory_space<hbm>> -> memref<1x16xf32, #tpu.memory_space<hbm>>
        %dma_wait3A_102 = tpu.memref_squeeze %dma_wait3A_101 : memref<1x16xf32, #tpu.memory_space<hbm>> -> memref<16xf32, #tpu.memory_space<hbm>>
        tpu.wait_dma2 semaphore(%run_scoped3A : memref<!tpu.dma_semaphore, #tpu.memory_space<semaphore_mem>>) src(%arg12 : memref<16xf32, #tpu.memory_space<vmem>>) dst(%dma_wait3A_102 : memref<16xf32, #tpu.memory_space<hbm>>)
        tpu.yield
      }) : () -> ()
    } else {
    }
    %eq3A_3 = arith.constant 1 : i32
    %eq3A_4 = arith.cmpi eq, %arg0, %eq3A_3 : i32
    %convert_element_type3A_5 = arith.extui %eq3A_4 : i1 to i32
    %cond3A_6 = arith.constant 0 : i32
    %cond3A_7 = arith.cmpi ne, %convert_element_type3A_5, %cond3A_6 : i32
    scf.if %cond3A_7 {
      %broadcast_in_dim3A = arith.constant 0.000000e+00 : f32
      %broadcast_in_dim3A_8 = vector.broadcast %broadcast_in_dim3A : f32 to vector<16xf32>
      %scan3A = arith.constant 0 : i32
      %scan3A_9 = arith.constant 512 : i32
      %scan3A_10 = arith.addi %scan3A, %scan3A_9 : i32
      %scan3A_11 = arith.constant 1 : i32
      scf.for %scan3A_93 = %scan3A to %scan3A_10 step %scan3A_11  : i32 {
        %mul3A_94 = arith.constant 1 : i32
        %mul3A_95 = arith.muli %scan3A_93, %mul3A_94 : i32
        %add3A_96 = arith.constant 0 : i32
        %add3A_97 = arith.addi %add3A_96, %mul3A_95 : i32
        %mul3A_98 = arith.constant 16 : i32
        %mul3A_99 = arith.muli %add3A_97, %mul3A_98 : i32
        %swap3A_100 = arith.index_cast %mul3A_99 : i32 to index
        %swap3A_101 = tpu.vector_load %arg9[%swap3A_100] {strides = array<i32>} : memref<8192xf32, #tpu.memory_space<vmem>>, vector<16xf32>,
        tpu.vector_store %arg9[%swap3A_100], %broadcast_in_dim3A_8 {strides = array<i32>} : memref<8192xf32, #tpu.memory_space<vmem>>, vector<16xf32>,
        %mul3A_102 = arith.constant 16 : i32
        %mul3A_103 = arith.muli %add3A_97, %mul3A_102 : i32
        %swap3A_104 = arith.index_cast %mul3A_103 : i32 to index
        %swap3A_105 = tpu.vector_load %arg10[%swap3A_104] {strides = array<i32>} : memref<8192xf32, #tpu.memory_space<vmem>>, vector<16xf32>,
        tpu.vector_store %arg10[%swap3A_104], %broadcast_in_dim3A_8 {strides = array<i32>} : memref<8192xf32, #tpu.memory_space<vmem>>, vector<16xf32>,
      }
      %scan3A_12 = arith.constant 512 : i32
      %swap3A = arith.constant 0 : index
      %swap3A_13 = tpu.vector_load %arg11[%swap3A] {strides = array<i32>} : memref<16xf32, #tpu.memory_space<vmem>>, vector<16xf32>,
      tpu.vector_store %arg11[%swap3A], %broadcast_in_dim3A_8 {strides = array<i32>} : memref<16xf32, #tpu.memory_space<vmem>>, vector<16xf32>,
      %broadcast_in_dim3A_14 = arith.constant 1.000000e+00 : f32
      %broadcast_in_dim3A_15 = vector.broadcast %broadcast_in_dim3A_14 : f32 to vector<16xf32>
      %scan3A_16 = arith.constant 0 : i32
      %scan3A_17 = arith.constant 64 : i32
      %scan3A_18 = arith.addi %scan3A_16, %scan3A_17 : i32
      %scan3A_19 = arith.constant 1 : i32
      scf.for %scan3A_93 = %scan3A_16 to %scan3A_18 step %scan3A_19  : i32 {
        %mul3A_94 = arith.constant 1 : i32
        %mul3A_95 = arith.muli %scan3A_93, %mul3A_94 : i32
        %add3A_96 = arith.constant 0 : i32
        %add3A_97 = arith.addi %add3A_96, %mul3A_95 : i32
        %mul3A_98 = arith.constant 4096 : i32
        %mul3A_99 = arith.muli %add3A_97, %mul3A_98 : i32
        "tpu.region"() ({
          %run_scoped3A = tpu.sem_alloc : memref<!tpu.dma_semaphore, #tpu.memory_space<semaphore_mem>>
          %dma_start3A = arith.constant 0 : i32
          %dma_start3A_105 = tpu.memref_slice %arg3[%arg1, %dma_start3A] : memref<16x262144xf32, #tpu.memory_space<hbm>> -> memref<1x262144xf32, #tpu.memory_space<hbm>>
          %dma_start3A_106 = tpu.memref_squeeze %dma_start3A_105 : memref<1x262144xf32, #tpu.memory_space<hbm>> -> memref<262144xf32, #tpu.memory_space<hbm>>
          %dma_start3A_107 = tpu.memref_slice %dma_start3A_106[%mul3A_99] : memref<262144xf32, #tpu.memory_space<hbm>> -> memref<4096xf32, #tpu.memory_space<hbm>>
          %dma_start3A_108 = arith.constant 0 : i32
          %dma_start3A_109 = tpu.memref_slice %arg3[%arg1, %dma_start3A_108] : memref<16x262144xf32, #tpu.memory_space<hbm>> -> memref<1x262144xf32, #tpu.memory_space<hbm>>
          %dma_start3A_110 = tpu.memref_squeeze %dma_start3A_109 : memref<1x262144xf32, #tpu.memory_space<hbm>> -> memref<262144xf32, #tpu.memory_space<hbm>>
          %dma_start3A_111 = tpu.memref_slice %dma_start3A_110[%mul3A_99] : memref<262144xf32, #tpu.memory_space<hbm>> -> memref<4096xf32, #tpu.memory_space<hbm>>
          tpu.enqueue_dma source(%dma_start3A_111 : memref<4096xf32, #tpu.memory_space<hbm>>) target(%arg7 : memref<4096xf32, #tpu.memory_space<vmem>>) target_semaphore(%run_scoped3A : memref<!tpu.dma_semaphore, #tpu.memory_space<semaphore_mem>>)
          %dma_wait3A = arith.constant 0 : i32
          %dma_wait3A_112 = tpu.memref_slice %arg3[%arg1, %dma_wait3A] : memref<16x262144xf32, #tpu.memory_space<hbm>> -> memref<1x262144xf32, #tpu.memory_space<hbm>>
          %dma_wait3A_113 = tpu.memref_squeeze %dma_wait3A_112 : memref<1x262144xf32, #tpu.memory_space<hbm>> -> memref<262144xf32, #tpu.memory_space<hbm>>
          %dma_wait3A_114 = tpu.memref_slice %dma_wait3A_113[%mul3A_99] : memref<262144xf32, #tpu.memory_space<hbm>> -> memref<4096xf32, #tpu.memory_space<hbm>>
          %dma_wait3A_115 = arith.constant 0 : i32
          %dma_wait3A_116 = tpu.memref_slice %arg3[%arg1, %dma_wait3A_115] : memref<16x262144xf32, #tpu.memory_space<hbm>> -> memref<1x262144xf32, #tpu.memory_space<hbm>>
          %dma_wait3A_117 = tpu.memref_squeeze %dma_wait3A_116 : memref<1x262144xf32, #tpu.memory_space<hbm>> -> memref<262144xf32, #tpu.memory_space<hbm>>
          %dma_wait3A_118 = tpu.memref_slice %dma_wait3A_117[%mul3A_99] : memref<262144xf32, #tpu.memory_space<hbm>> -> memref<4096xf32, #tpu.memory_space<hbm>>
          tpu.wait_dma2 semaphore(%run_scoped3A : memref<!tpu.dma_semaphore, #tpu.memory_space<semaphore_mem>>) src(%dma_wait3A_118 : memref<4096xf32, #tpu.memory_space<hbm>>) dst(%arg7 : memref<4096xf32, #tpu.memory_space<vmem>>)
          tpu.yield
        }) : () -> ()
        "tpu.region"() ({
          %run_scoped3A = tpu.sem_alloc : memref<!tpu.dma_semaphore, #tpu.memory_space<semaphore_mem>>
          %dma_start3A = arith.constant 0 : i32
          %dma_start3A_105 = tpu.memref_slice %arg5[%arg1, %dma_start3A] : memref<16x262144xf32, #tpu.memory_space<hbm>> -> memref<1x262144xf32, #tpu.memory_space<hbm>>
          %dma_start3A_106 = tpu.memref_squeeze %dma_start3A_105 : memref<1x262144xf32, #tpu.memory_space<hbm>> -> memref<262144xf32, #tpu.memory_space<hbm>>
          %dma_start3A_107 = tpu.memref_slice %dma_start3A_106[%mul3A_99] : memref<262144xf32, #tpu.memory_space<hbm>> -> memref<4096xf32, #tpu.memory_space<hbm>>
          %dma_start3A_108 = arith.constant 0 : i32
          %dma_start3A_109 = tpu.memref_slice %arg5[%arg1, %dma_start3A_108] : memref<16x262144xf32, #tpu.memory_space<hbm>> -> memref<1x262144xf32, #tpu.memory_space<hbm>>
          %dma_start3A_110 = tpu.memref_squeeze %dma_start3A_109 : memref<1x262144xf32, #tpu.memory_space<hbm>> -> memref<262144xf32, #tpu.memory_space<hbm>>
          %dma_start3A_111 = tpu.memref_slice %dma_start3A_110[%mul3A_99] : memref<262144xf32, #tpu.memory_space<hbm>> -> memref<4096xf32, #tpu.memory_space<hbm>>
          tpu.enqueue_dma source(%dma_start3A_111 : memref<4096xf32, #tpu.memory_space<hbm>>) target(%arg8 : memref<4096xf32, #tpu.memory_space<vmem>>) target_semaphore(%run_scoped3A : memref<!tpu.dma_semaphore, #tpu.memory_space<semaphore_mem>>)
          %dma_wait3A = arith.constant 0 : i32
          %dma_wait3A_112 = tpu.memref_slice %arg5[%arg1, %dma_wait3A] : memref<16x262144xf32, #tpu.memory_space<hbm>> -> memref<1x262144xf32, #tpu.memory_space<hbm>>
          %dma_wait3A_113 = tpu.memref_squeeze %dma_wait3A_112 : memref<1x262144xf32, #tpu.memory_space<hbm>> -> memref<262144xf32, #tpu.memory_space<hbm>>
          %dma_wait3A_114 = tpu.memref_slice %dma_wait3A_113[%mul3A_99] : memref<262144xf32, #tpu.memory_space<hbm>> -> memref<4096xf32, #tpu.memory_space<hbm>>
          %dma_wait3A_115 = arith.constant 0 : i32
          %dma_wait3A_116 = tpu.memref_slice %arg5[%arg1, %dma_wait3A_115] : memref<16x262144xf32, #tpu.memory_space<hbm>> -> memref<1x262144xf32, #tpu.memory_space<hbm>>
          %dma_wait3A_117 = tpu.memref_squeeze %dma_wait3A_116 : memref<1x262144xf32, #tpu.memory_space<hbm>> -> memref<262144xf32, #tpu.memory_space<hbm>>
          %dma_wait3A_118 = tpu.memref_slice %dma_wait3A_117[%mul3A_99] : memref<262144xf32, #tpu.memory_space<hbm>> -> memref<4096xf32, #tpu.memory_space<hbm>>
          tpu.wait_dma2 semaphore(%run_scoped3A : memref<!tpu.dma_semaphore, #tpu.memory_space<semaphore_mem>>) src(%dma_wait3A_118 : memref<4096xf32, #tpu.memory_space<hbm>>) dst(%arg8 : memref<4096xf32, #tpu.memory_space<vmem>>)
          tpu.yield
        }) : () -> ()
        %scan3A_100 = arith.constant 0 : i32
        %scan3A_101 = arith.constant 256 : i32
        %scan3A_102 = arith.addi %scan3A_100, %scan3A_101 : i32
        %scan3A_103 = arith.constant 1 : i32
        scf.for %scan3A_105 = %scan3A_100 to %scan3A_102 step %scan3A_103  : i32 {
          %mul3A_106 = arith.constant 1 : i32
          %mul3A_107 = arith.muli %scan3A_105, %mul3A_106 : i32
          %add3A_108 = arith.constant 0 : i32
          %add3A_109 = arith.addi %add3A_108, %mul3A_107 : i32
          %mul3A_110 = arith.constant 16 : i32
          %mul3A_111 = arith.muli %add3A_109, %mul3A_110 : i32
          %get3A_112 = arith.index_cast %mul3A_111 : i32 to index
          %get3A_113 = tpu.vector_load %arg7[%get3A_112] {strides = array<i32>} : memref<4096xf32, #tpu.memory_space<vmem>>, vector<16xf32>,
          %mul3A_114 = arith.constant 16 : i32
          %mul3A_115 = arith.muli %add3A_109, %mul3A_114 : i32
          %get3A_116 = arith.index_cast %mul3A_115 : i32 to index
          %get3A_117 = tpu.vector_load %arg8[%get3A_116] {strides = array<i32>} : memref<4096xf32, #tpu.memory_space<vmem>>, vector<16xf32>,
          %sub3A_118 = arith.subf %get3A_117, %get3A_113 : vector<16xf32>
          %mul3A_119 = arith.mulf %sub3A_118, %sub3A_118 : vector<16xf32>
          %get3A_120 = arith.constant 0 : index
          %get3A_121 = tpu.vector_load %arg11[%get3A_120] {strides = array<i32>} : memref<16xf32, #tpu.memory_space<vmem>>, vector<16xf32>,
          %add3A_122 = arith.addf %get3A_121, %mul3A_119 : vector<16xf32>
          %swap3A_123 = arith.constant 0 : index
          %swap3A_124 = tpu.vector_load %arg11[%swap3A_123] {strides = array<i32>} : memref<16xf32, #tpu.memory_space<vmem>>, vector<16xf32>,
          tpu.vector_store %arg11[%swap3A_123], %add3A_122 {strides = array<i32>} : memref<16xf32, #tpu.memory_space<vmem>>, vector<16xf32>,
          %lt3A = arith.constant 1.000000e-01 : f32
          %lt3A_125 = vector.broadcast %lt3A : f32 to vector<16xf32>
          %lt3A_126 = arith.cmpf olt, %get3A_113, %lt3A_125 : vector<16xf32>
          %mul3A_127 = arith.constant 8.192000e+03 : f32
          %mul3A_128 = vector.broadcast %mul3A_127 : f32 to vector<16xf32>
          %mul3A_129 = arith.mulf %mul3A_119, %mul3A_128 : vector<16xf32>
          %convert_element_type3A_130 = arith.fptosi %mul3A_129 : vector<16xf32> to vector<16xi32>
          %min3A = arith.constant 8191 : i32
          %min3A_131 = vector.broadcast %min3A : i32 to vector<16xi32>
          %min3A_132 = arith.minsi %convert_element_type3A_130, %min3A_131 : vector<16xi32>
          tpu.vector_store_idx %arg9[%min3A_132], %broadcast_in_dim3A_15 masked %lt3A_126 {add = true} : memref<8192xf32, #tpu.memory_space<vmem>>[vector<16xi32>], vector<16xf32>, vector<16xi1>
          tpu.vector_store_idx %arg10[%min3A_132], %mul3A_119 masked %lt3A_126 {add = true} : memref<8192xf32, #tpu.memory_space<vmem>>[vector<16xi32>], vector<16xf32>, vector<16xi1>
        }
        %scan3A_104 = arith.constant 256 : i32
      }
      %scan3A_20 = arith.constant 64 : i32
      %scan3A_21 = arith.constant 0 : i32
      %scan3A_22 = arith.constant 512 : i32
      %scan3A_23 = arith.addi %scan3A_21, %scan3A_22 : i32
      %scan3A_24 = arith.constant 1 : i32
      %scan3A_25:2 = scf.for %scan3A_93 = %scan3A_21 to %scan3A_23 step %scan3A_24 iter_args(%scan3A_94 = %broadcast_in_dim3A_8, %scan3A_95 = %broadcast_in_dim3A_8) -> (vector<16xf32>, vector<16xf32>)  : i32 {
        %mul3A_96 = arith.constant 16 : i32
        %mul3A_97 = arith.muli %scan3A_93, %mul3A_96 : i32
        %get3A_98 = arith.index_cast %mul3A_97 : i32 to index
        %get3A_99 = tpu.vector_load %arg9[%get3A_98] {strides = array<i32>} : memref<8192xf32, #tpu.memory_space<vmem>>, vector<16xf32>,
        %add3A_100 = arith.addf %scan3A_94, %get3A_99 : vector<16xf32>
        %get3A_101 = arith.index_cast %mul3A_97 : i32 to index
        %get3A_102 = tpu.vector_load %arg10[%get3A_101] {strides = array<i32>} : memref<8192xf32, #tpu.memory_space<vmem>>, vector<16xf32>,
        %add3A_103 = arith.addf %scan3A_95, %get3A_102 : vector<16xf32>
        scf.yield %add3A_100, %add3A_103 : vector<16xf32>, vector<16xf32>
      }
      %scan3A_26 = arith.constant 512 : i32
      %reduce_sum3A = arith.constant true
      %reduce_sum3A_27 = vector.broadcast %reduce_sum3A : i1 to vector<16xi1>
      %reduce_sum3A_28 = tpu.scan <sum>, %scan3A_25#0 masked %reduce_sum3A_27 : vector<16xf32>, vector<16xi1> -> vector<16xf32>
      %reduce_sum3A_29 = vector.extract %reduce_sum3A_28[15] : f32 from vector<16xf32>
      %reduce_sum3A_30 = arith.constant true
      %reduce_sum3A_31 = vector.broadcast %reduce_sum3A_30 : i1 to vector<16xi1>
      %reduce_sum3A_32 = tpu.scan <sum>, %scan3A_25#1 masked %reduce_sum3A_31 : vector<16xf32>, vector<16xi1> -> vector<16xf32>
      %reduce_sum3A_33 = vector.extract %reduce_sum3A_32[15] : f32 from vector<16xf32>
      %get3A = arith.constant 0 : index
      %get3A_34 = tpu.vector_load %arg11[%get3A] {strides = array<i32>} : memref<16xf32, #tpu.memory_space<vmem>>, vector<16xf32>,
      %reduce_sum3A_35 = arith.constant true
      %reduce_sum3A_36 = vector.broadcast %reduce_sum3A_35 : i1 to vector<16xi1>
      %reduce_sum3A_37 = tpu.scan <sum>, %get3A_34 masked %reduce_sum3A_36 : vector<16xf32>, vector<16xi1> -> vector<16xf32>
      %reduce_sum3A_38 = vector.extract %reduce_sum3A_37[15] : f32 from vector<16xf32>
      %sub3A = arith.constant 2.621440e+05 : f32
      %sub3A_39 = arith.subf %sub3A, %reduce_sum3A_29 : f32
      %eq3A_40 = arith.constant 0.000000e+00 : f32
      %eq3A_41 = arith.cmpf oeq, %sub3A_39, %eq3A_40 : f32
      %mul3A_42 = arith.constant 3.000000e+00 : f32
      %mul3A_43 = arith.mulf %mul3A_42, %sub3A_39 : f32
      %jit3A = arith.constant 5.000000e+01 : f32
      %select_n3A = arith.select %eq3A_41, %jit3A, %mul3A_43 : f32
      %eq3A_44 = arith.constant 0.000000e+00 : f32
      %eq3A_45 = arith.cmpf oeq, %sub3A_39, %eq3A_44 : f32
      %mul3A_46 = arith.constant 3.000000e+00 : f32
      %mul3A_47 = arith.mulf %mul3A_46, %sub3A_39 : f32
      %ge3A = arith.cmpf oge, %reduce_sum3A_29, %mul3A_47 : f32
      %or3A = arith.ori %eq3A_45, %ge3A : i1
      %convert_element_type3A_48 = arith.extui %or3A : i1 to i32
      %cond3A_49 = arith.constant 0.000000e+00 : f32
      %cond3A_50 = arith.constant 0 : i32
      %cond3A_51 = arith.constant 0 : i32
      %cond3A_52 = arith.cmpi ne, %convert_element_type3A_48, %cond3A_51 : i32
      %cond3A_53:4 = scf.if %cond3A_52 -> (f32, f32, f32, f32) {
        %while3A = arith.constant 511 : i32
        %while3A_93 = arith.constant 0.000000e+00 : f32
        %while3A_94 = arith.constant 0.000000e+00 : f32
        %while3A_95:3 = scf.while (%while3A_165 = %while3A, %while3A_166 = %while3A_93, %while3A_167 = %while3A_94) : (i32, f32, f32) -> (i32, f32, f32) {
          %ge3A_168 = arith.constant 0 : i32
          %ge3A_169 = arith.cmpi sge, %while3A_165, %ge3A_168 : i32
          %lt3A = arith.cmpf olt, %while3A_166, %select_n3A : f32
          %and3A = arith.andi %ge3A_169, %lt3A : i1
          scf.condition(%and3A) %while3A_165, %while3A_166, %while3A_167 : i32, f32, f32
        } do {
        ^bb0(%while3A_165: i32, %while3A_166: f32, %while3A_167: f32):
          %mul3A_168 = arith.constant 16 : i32
          %mul3A_169 = arith.muli %while3A_165, %mul3A_168 : i32
          %sub3A_170 = arith.constant 1 : i32
          %sub3A_171 = arith.subi %while3A_165, %sub3A_170 : i32
          %get3A_172 = arith.index_cast %mul3A_169 : i32 to index
          %get3A_173 = tpu.vector_load %arg9[%get3A_172] {strides = array<i32>} : memref<8192xf32, #tpu.memory_space<vmem>>, vector<16xf32>,
          %reduce_sum3A_174 = arith.constant true
          %reduce_sum3A_175 = vector.broadcast %reduce_sum3A_174 : i1 to vector<16xi1>
          %reduce_sum3A_176 = tpu.scan <sum>, %get3A_173 masked %reduce_sum3A_175 : vector<16xf32>, vector<16xi1> -> vector<16xf32>
          %reduce_sum3A_177 = vector.extract %reduce_sum3A_176[15] : f32 from vector<16xf32>
          %add3A_178 = arith.addf %while3A_166, %reduce_sum3A_177 : f32
          %get3A_179 = arith.index_cast %mul3A_169 : i32 to index
          %get3A_180 = tpu.vector_load %arg10[%get3A_179] {strides = array<i32>} : memref<8192xf32, #tpu.memory_space<vmem>>, vector<16xf32>,
          %reduce_sum3A_181 = arith.constant true
          %reduce_sum3A_182 = vector.broadcast %reduce_sum3A_181 : i1 to vector<16xi1>
          %reduce_sum3A_183 = tpu.scan <sum>, %get3A_180 masked %reduce_sum3A_182 : vector<16xf32>, vector<16xi1> -> vector<16xf32>
          %reduce_sum3A_184 = vector.extract %reduce_sum3A_183[15] : f32 from vector<16xf32>
          %add3A_185 = arith.addf %while3A_167, %reduce_sum3A_184 : f32
          scf.yield %sub3A_171, %add3A_178, %add3A_185 : i32, f32, f32
        }
        %add3A_96 = arith.constant 1 : i32
        %add3A_97 = arith.addi %while3A_95#0, %add3A_96 : i32
        %mul3A_98 = arith.constant 16 : i32
        %mul3A_99 = arith.muli %add3A_97, %mul3A_98 : i32
        %get3A_100 = arith.index_cast %mul3A_99 : i32 to index
        %get3A_101 = tpu.vector_load %arg9[%get3A_100] {strides = array<i32>} : memref<8192xf32, #tpu.memory_space<vmem>>, vector<16xf32>,
        %get3A_102 = arith.index_cast %mul3A_99 : i32 to index
        %get3A_103 = tpu.vector_load %arg10[%get3A_102] {strides = array<i32>} : memref<8192xf32, #tpu.memory_space<vmem>>, vector<16xf32>,
        %reduce_sum3A_104 = arith.constant true
        %reduce_sum3A_105 = vector.broadcast %reduce_sum3A_104 : i1 to vector<16xi1>
        %reduce_sum3A_106 = tpu.scan <sum>, %get3A_101 masked %reduce_sum3A_105 : vector<16xf32>, vector<16xi1> -> vector<16xf32>
        %reduce_sum3A_107 = vector.extract %reduce_sum3A_106[15] : f32 from vector<16xf32>
        %sub3A_108 = arith.subf %while3A_95#1, %reduce_sum3A_107 : f32
        %reduce_sum3A_109 = arith.constant true
        %reduce_sum3A_110 = vector.broadcast %reduce_sum3A_109 : i1 to vector<16xi1>
        %reduce_sum3A_111 = tpu.scan <sum>, %get3A_103 masked %reduce_sum3A_110 : vector<16xf32>, vector<16xi1> -> vector<16xf32>
        %reduce_sum3A_112 = vector.extract %reduce_sum3A_111[15] : f32 from vector<16xf32>
        %sub3A_113 = arith.subf %while3A_95#2, %reduce_sum3A_112 : f32
        %sub3A_114 = arith.subf %select_n3A, %sub3A_108 : f32
        %rev3A = arith.constant 15 : i32
        %rev3A_115 = vector.broadcast %rev3A : i32 to vector<16xi32>
        %rev3A_116 = tpu.iota {dimensions = array<i32: 0>} : vector<16xi32>
        %rev3A_117 = arith.subi %rev3A_115, %rev3A_116 : vector<16xi32>
        %rev3A_118 = tpu.dynamic_gather %get3A_101[%rev3A_117] in [0] : vector<16xf32>, vector<16xi32> -> vector<16xf32>
        %rev3A_119 = arith.constant 15 : i32
        %rev3A_120 = vector.broadcast %rev3A_119 : i32 to vector<16xi32>
        %rev3A_121 = tpu.iota {dimensions = array<i32: 0>} : vector<16xi32>
        %rev3A_122 = arith.subi %rev3A_120, %rev3A_121 : vector<16xi32>
        %rev3A_123 = tpu.dynamic_gather %get3A_103[%rev3A_122] in [0] : vector<16xf32>, vector<16xi32> -> vector<16xf32>
        %broadcast_in_dim3A_124 = arith.constant true
        %broadcast_in_dim3A_125 = vector.broadcast %broadcast_in_dim3A_124 : i1 to vector<16xi1>
        %masked_cumsum3A = tpu.scan <sum>, %rev3A_118 masked %broadcast_in_dim3A_125 : vector<16xf32>, vector<16xi1> -> vector<16xf32>
        %broadcast_in_dim3A_126 = arith.constant true
        %broadcast_in_dim3A_127 = vector.broadcast %broadcast_in_dim3A_126 : i1 to vector<16xi1>
        %masked_cumsum3A_128 = tpu.scan <sum>, %rev3A_123 masked %broadcast_in_dim3A_127 : vector<16xf32>, vector<16xi1> -> vector<16xf32>
        %ge3A_129 = vector.broadcast %sub3A_114 : f32 to vector<16xf32>
        %ge3A_130 = arith.cmpf oge, %masked_cumsum3A, %ge3A_129 : vector<16xf32>
        %all_reduce_ffs3A = tpu.all_reduce %ge3A_130 {dim = 0 : i64, kind = #tpu.reduction_kind<find_first_set>} : vector<16xi1> -> vector<16xi32>
        %iota3A_131 = tpu.iota {dimensions = array<i32: 0>} : vector<16xi32>
        %eq3A_132 = arith.cmpi eq, %iota3A_131, %all_reduce_ffs3A : vector<16xi32>
        %jit3A_133 = arith.constant 0.000000e+00 : f32
        %broadcast_in_dim3A_134 = vector.broadcast %jit3A_133 : f32 to vector<16xf32>
        %select_n3A_135 = arith.select %eq3A_132, %rev3A_118, %broadcast_in_dim3A_134 : vector<16xi1>, vector<16xf32>
        %reduce_sum3A_136 = arith.constant true
        %reduce_sum3A_137 = vector.broadcast %reduce_sum3A_136 : i1 to vector<16xi1>
        %reduce_sum3A_138 = tpu.scan <sum>, %select_n3A_135 masked %reduce_sum3A_137 : vector<16xf32>, vector<16xi1> -> vector<16xf32>
        %reduce_sum3A_139 = vector.extract %reduce_sum3A_138[15] : f32 from vector<16xf32>
        %jit3A_140 = arith.constant 0.000000e+00 : f32
        %broadcast_in_dim3A_141 = vector.broadcast %jit3A_140 : f32 to vector<16xf32>
        %select_n3A_142 = arith.select %eq3A_132, %rev3A_123, %broadcast_in_dim3A_141 : vector<16xi1>, vector<16xf32>
        %reduce_sum3A_143 = arith.constant true
        %reduce_sum3A_144 = vector.broadcast %reduce_sum3A_143 : i1 to vector<16xi1>
        %reduce_sum3A_145 = tpu.scan <sum>, %select_n3A_142 masked %reduce_sum3A_144 : vector<16xf32>, vector<16xi1> -> vector<16xf32>
        %reduce_sum3A_146 = vector.extract %reduce_sum3A_145[15] : f32 from vector<16xf32>
        %jit3A_147 = arith.constant 0.000000e+00 : f32
        %broadcast_in_dim3A_148 = vector.broadcast %jit3A_147 : f32 to vector<16xf32>
        %select_n3A_149 = arith.select %eq3A_132, %masked_cumsum3A, %broadcast_in_dim3A_148 : vector<16xi1>, vector<16xf32>
        %reduce_sum3A_150 = arith.constant true
        %reduce_sum3A_151 = vector.broadcast %reduce_sum3A_150 : i1 to vector<16xi1>
        %reduce_sum3A_152 = tpu.scan <sum>, %select_n3A_149 masked %reduce_sum3A_151 : vector<16xf32>, vector<16xi1> -> vector<16xf32>
        %reduce_sum3A_153 = vector.extract %reduce_sum3A_152[15] : f32 from vector<16xf32>
        %sub3A_154 = arith.subf %reduce_sum3A_153, %reduce_sum3A_139 : f32
        %jit3A_155 = arith.constant 0.000000e+00 : f32
        %broadcast_in_dim3A_156 = vector.broadcast %jit3A_155 : f32 to vector<16xf32>
        %select_n3A_157 = arith.select %eq3A_132, %masked_cumsum3A_128, %broadcast_in_dim3A_156 : vector<16xi1>, vector<16xf32>
        %reduce_sum3A_158 = arith.constant true
        %reduce_sum3A_159 = vector.broadcast %reduce_sum3A_158 : i1 to vector<16xi1>
        %reduce_sum3A_160 = tpu.scan <sum>, %select_n3A_157 masked %reduce_sum3A_159 : vector<16xf32>, vector<16xi1> -> vector<16xf32>
        %reduce_sum3A_161 = vector.extract %reduce_sum3A_160[15] : f32 from vector<16xf32>
        %sub3A_162 = arith.subf %reduce_sum3A_161, %reduce_sum3A_146 : f32
        %add3A_163 = arith.addf %sub3A_113, %sub3A_162 : f32
        %sub3A_164 = arith.subf %sub3A_114, %sub3A_154 : f32
        scf.yield %add3A_163, %sub3A_164, %reduce_sum3A_146, %reduce_sum3A_139 : f32, f32, f32, f32
      } else {
        scf.yield %cond3A_49, %cond3A_49, %cond3A_49, %cond3A_49 : f32, f32, f32, f32
      }
      %iota3A = tpu.iota {dimensions = array<i32: 0>} : vector<16xi32>
      %broadcast_in_dim3A_54 = arith.constant 0.000000e+00 : f32
      %broadcast_in_dim3A_55 = vector.broadcast %broadcast_in_dim3A_54 : f32 to vector<16xf32>
      %eq3A_56 = arith.constant 0 : i32
      %eq3A_57 = vector.broadcast %eq3A_56 : i32 to vector<16xi32>
      %eq3A_58 = arith.cmpi eq, %iota3A, %eq3A_57 : vector<16xi32>
      %broadcast_in_dim3A_59 = vector.broadcast %reduce_sum3A_38 : f32 to vector<16xf32>
      %select_n3A_60 = arith.select %eq3A_58, %broadcast_in_dim3A_59, %broadcast_in_dim3A_55 : vector<16xi1>, vector<16xf32>
      %eq3A_61 = arith.constant 1 : i32
      %eq3A_62 = vector.broadcast %eq3A_61 : i32 to vector<16xi32>
      %eq3A_63 = arith.cmpi eq, %iota3A, %eq3A_62 : vector<16xi32>
      %broadcast_in_dim3A_64 = vector.broadcast %reduce_sum3A_29 : f32 to vector<16xf32>
      %select_n3A_65 = arith.select %eq3A_63, %broadcast_in_dim3A_64, %select_n3A_60 : vector<16xi1>, vector<16xf32>
      %eq3A_66 = arith.constant 2 : i32
      %eq3A_67 = vector.broadcast %eq3A_66 : i32 to vector<16xi32>
      %eq3A_68 = arith.cmpi eq, %iota3A, %eq3A_67 : vector<16xi32>
      %broadcast_in_dim3A_69 = vector.broadcast %reduce_sum3A_33 : f32 to vector<16xf32>
      %select_n3A_70 = arith.select %eq3A_68, %broadcast_in_dim3A_69, %select_n3A_65 : vector<16xi1>, vector<16xf32>
      %eq3A_71 = arith.constant 3 : i32
      %eq3A_72 = vector.broadcast %eq3A_71 : i32 to vector<16xi32>
      %eq3A_73 = arith.cmpi eq, %iota3A, %eq3A_72 : vector<16xi32>
      %broadcast_in_dim3A_74 = vector.broadcast %cond3A_53#0 : f32 to vector<16xf32>
      %select_n3A_75 = arith.select %eq3A_73, %broadcast_in_dim3A_74, %select_n3A_70 : vector<16xi1>, vector<16xf32>
      %eq3A_76 = arith.constant 4 : i32
      %eq3A_77 = vector.broadcast %eq3A_76 : i32 to vector<16xi32>
      %eq3A_78 = arith.cmpi eq, %iota3A, %eq3A_77 : vector<16xi32>
      %broadcast_in_dim3A_79 = vector.broadcast %cond3A_53#1 : f32 to vector<16xf32>
      %select_n3A_80 = arith.select %eq3A_78, %broadcast_in_dim3A_79, %select_n3A_75 : vector<16xi1>, vector<16xf32>
      %eq3A_81 = arith.constant 5 : i32
      %eq3A_82 = vector.broadcast %eq3A_81 : i32 to vector<16xi32>
      %eq3A_83 = arith.cmpi eq, %iota3A, %eq3A_82 : vector<16xi32>
      %broadcast_in_dim3A_84 = vector.broadcast %cond3A_53#2 : f32 to vector<16xf32>
      %select_n3A_85 = arith.select %eq3A_83, %broadcast_in_dim3A_84, %select_n3A_80 : vector<16xi1>, vector<16xf32>
      %eq3A_86 = arith.constant 6 : i32
      %eq3A_87 = vector.broadcast %eq3A_86 : i32 to vector<16xi32>
      %eq3A_88 = arith.cmpi eq, %iota3A, %eq3A_87 : vector<16xi32>
      %broadcast_in_dim3A_89 = vector.broadcast %cond3A_53#3 : f32 to vector<16xf32>
      %select_n3A_90 = arith.select %eq3A_88, %broadcast_in_dim3A_89, %select_n3A_85 : vector<16xi1>, vector<16xf32>
      %swap3A_91 = arith.constant 0 : index
      %swap3A_92 = tpu.vector_load %arg12[%swap3A_91] {strides = array<i32>} : memref<16xf32, #tpu.memory_space<vmem>>, vector<16xf32>,
      tpu.vector_store %arg12[%swap3A_91], %select_n3A_90 {strides = array<i32>} : memref<16xf32, #tpu.memory_space<vmem>>, vector<16xf32>,
      "tpu.region"() ({
        %run_scoped3A = tpu.sem_alloc : memref<!tpu.dma_semaphore, #tpu.memory_space<semaphore_mem>>
        %dma_start3A = arith.constant 0 : i32
        %dma_start3A_93 = tpu.memref_slice %arg6[%add3A, %dma_start3A] : memref<32x16xf32, #tpu.memory_space<hbm>> -> memref<1x16xf32, #tpu.memory_space<hbm>>
        %dma_start3A_94 = tpu.memref_squeeze %dma_start3A_93 : memref<1x16xf32, #tpu.memory_space<hbm>> -> memref<16xf32, #tpu.memory_space<hbm>>
        %dma_start3A_95 = arith.constant 0 : i32
        %dma_start3A_96 = tpu.memref_slice %arg6[%add3A, %dma_start3A_95] : memref<32x16xf32, #tpu.memory_space<hbm>> -> memref<1x16xf32, #tpu.memory_space<hbm>>
        %dma_start3A_97 = tpu.memref_squeeze %dma_start3A_96 : memref<1x16xf32, #tpu.memory_space<hbm>> -> memref<16xf32, #tpu.memory_space<hbm>>
        tpu.enqueue_dma source(%arg12 : memref<16xf32, #tpu.memory_space<vmem>>) target(%dma_start3A_97 : memref<16xf32, #tpu.memory_space<hbm>>) target_semaphore(%run_scoped3A : memref<!tpu.dma_semaphore, #tpu.memory_space<semaphore_mem>>)
        %dma_wait3A = arith.constant 0 : i32
        %dma_wait3A_98 = tpu.memref_slice %arg6[%add3A, %dma_wait3A] : memref<32x16xf32, #tpu.memory_space<hbm>> -> memref<1x16xf32, #tpu.memory_space<hbm>>
        %dma_wait3A_99 = tpu.memref_squeeze %dma_wait3A_98 : memref<1x16xf32, #tpu.memory_space<hbm>> -> memref<16xf32, #tpu.memory_space<hbm>>
        %dma_wait3A_100 = arith.constant 0 : i32
        %dma_wait3A_101 = tpu.memref_slice %arg6[%add3A, %dma_wait3A_100] : memref<32x16xf32, #tpu.memory_space<hbm>> -> memref<1x16xf32, #tpu.memory_space<hbm>>
        %dma_wait3A_102 = tpu.memref_squeeze %dma_wait3A_101 : memref<1x16xf32, #tpu.memory_space<hbm>> -> memref<16xf32, #tpu.memory_space<hbm>>
        tpu.wait_dma2 semaphore(%run_scoped3A : memref<!tpu.dma_semaphore, #tpu.memory_space<semaphore_mem>>) src(%arg12 : memref<16xf32, #tpu.memory_space<vmem>>) dst(%dma_wait3A_102 : memref<16xf32, #tpu.memory_space<hbm>>)
        tpu.yield
      }) : () -> ()
    } else {
    }
    return
  }
}

</mosaic_0001>

<sc_bundles>
// kernel: kernel.3.cloned.1.call-start
scs
__scs_entry_jumppad:
0x0: {  	(pc) =	sbr.rel $0x88, $3  }
0x1: {  	(tag) =	ssettag $0x0;
	lr =	simm.s32 $0x1  }
0x2: {  	[smem:$0x3F9D] =	sst lr;
	_ =	strace $0xD0000000  }
0x3: {  	_ = 	snop  }
0x4: {  	_ = 	snop  }
0x5: {  	_ = 	snop  }
0x6: {  	_ = 	snop  }
0x7: {  	_ = 	snop  }
__scs_overlays_trampoline_lowered:
0x8: {  	[smem:$0x3FAC] =	sst s0  }
0x9: {  	[smem:$0x3FAD] =	sst s1  }
0xa: {  	[smem:$0x3FAE] =	sst s2  }
0xb: {  	[smem:$0x3FAF] =	sst s3  }
0xc: {  	[smem:$0x3FB0] =	sst s4  }
0xd: {  	[smem:$0x3FB1] =	sst s5  }
0xe: {  	[smem:$0x3FB2] =	sst s6  }
0xf: {  	[smem:$0x3FB3] =	sst s7  }
0x10: {  	[smem:$0x3FB4] =	sst s8  }
0x11: {  	[smem:$0x3FB5] =	sst s9;
	s0 =	simm.s32 @!p0 $0x0  }
0x12: {  	s1 =	sld [smem:$0x3F9B];
	s0 =	simm.s32 @p0 $0x1  }
0x13: {  	[smem:$0x3FB6] =	sst s0;
	s0 =	simm.s32 @!p1 $0x0  }
0x14: {  	s2 =	sld [smem:$0x3F9A];
	s0 =	simm.s32 @p1 $0x1  }
0x15: {  	[smem:$0x3FB7] =	sst s0;
	s0 =	simm.s32 @!p2 $0x0  }
0x16: {  	s3 =	sld [smem:$0x3FDB];
	s0 =	simm.s32 @p2 $0x1  }
0x17: {  	s4 =	simm.s32 $0x1BF5;
	[smem:$0x3FB9] =	sst s0  }
0x18: {  	s0 =	sld [smem:$0x3F9C];
	_ =	swait.ge [sflag:s4], $0x0  }
0x19: {  	s7 =	sld [smem:$0x3F9D]  }
0x1a: {  	s8 =	sadd.s32 $0xFFFFE003, lr  }
0x1b: {  	s9 =	sadd.s32 $0xFFFFFEF7, lr;
	s5 =	simm.s32 $0xFFFFFFFF;
	p2 =	slt.u32 s8, $0xFFFFF086  }
0x1c: {  	p1 =	slt.u32 s9, $0xF7A;
	s5 =	simm.s32 @!p2 $0x0  }
0x1d: {  	s5 =	simm.s32 @p1 $0x1;
	p0 =	seq.s32 s7, s2  }
0x1e: {  	s7 =	smul.u32 @!p0 $0xF7A, s2;
	p2 =	seq.s32 @!p0 s5, $0x0  }
0x1f: {  	s9 =	smul.u32 $0xF7A, s1;
	s8 =	simm.s32 @!p0 $0x1BF5;
	p2 =	por !p2, p0  }
0x20: {  	[sflag:s8] =	ssyncset.s32 @!p0 $0xFFFFF086;
	s6 =	sadd.s32 @!p0 s3, s7;
	s7 =	simm.s32 @!p0 $0x108  }
0x21: {  	s3 =	sadd.s32 s3, s9;
	s6 =	sadd.s32 @!p0 $0x88, s6;
	s7 =	simm.s32 @p2 $0x1082  }
0x22: {  	[simem:s7], [sflag:s8] =	dma.local @!p0 [hbm:s6], $0xF7A  }
0x23: {  	s9 =	sor.u32 $0xD0000000, s2;
	s6 =	simm.s32 $0x108;
	_ =	swait.ge @!p0 [sflag:s8], $0x0  }
0x24: {  	s3 =	sadd.s32 $0x88, s3;
	s6 =	simm.s32 @!p1 $0x1082;
	[sflag:s4] =	ssyncset.s32 $0xFFFFF086  }
0x25: {  	[simem:s6], [sflag:s4] =	dma.local [hbm:s3], $0xF7A  }
0x26: {  	[smem:$0x3F9D] =	sst s1;
	(tag) =	ssettag s2;
	_ =	strace s9  }
0x27: {  	s1 =	sld [smem:$0x3FAD]  }
0x28: {  	s2 =	sld [smem:$0x3FAE]  }
0x29: {  	s4 =	sld [smem:$0x3FB0]  }
0x2a: {  	p0 =	seq.s32 s5, $0x0;
	s5 =	sld [smem:$0x3FB1]  }
0x2b: {  	s6 =	sld [smem:$0x3FB2]  }
0x2c: {  	s7 =	sld [smem:$0x3FB3]  }
0x2d: {  	s3 =	simm.s32 $0x108;
	s8 =	sld [smem:$0x3FB4]  }
0x2e: {  	s3 =	simm.s32 @!p0 $0x1082;
	s9 =	sld [smem:$0x3FB5]  }
0x2f: {  	lr =	sadd.s32 s0, s3;
	s0 =	sld [smem:$0x3FAC]  }
0x30: {  	s3 =	sld [smem:$0x3FAF]  }
0x31: {  	[smem:$0x3FB8] =	sst s10  }
0x32: {  	s10 =	sld [smem:$0x3FB6];
	_ =	sdelay $0x3  }
0x33: {  	p0 =	seq.s32 s10, $0x1;
	s10 =	sld [smem:$0x3FB8];
	_ =	sdelay $0x3  }
0x34: {  	[smem:$0x3FB8] =	sst s10  }
0x35: {  	s10 =	sld [smem:$0x3FB7];
	_ =	sdelay $0x3  }
0x36: {  	p1 =	seq.s32 s10, $0x1;
	s10 =	sld [smem:$0x3FB8];
	_ =	sdelay $0x3  }
0x37: {  	[smem:$0x3FB8] =	sst s10  }
0x38: {  	s10 =	sld [smem:$0x3FB9]  }
0x39: {  	_ = 	snop;
	(pc) =	sbr.ind lr, $3  }
0x3a: {  	_ = 	snop  }
0x3b: {  	_ = 	snop  }
0x3c: {  	p2 =	seq.s32 s10, $0x1;
	s10 =	sld [smem:$0x3FB8]  }
0x3d: {  	_ =	shalt  }
0x3e: {  	_ =	shalt  }
0x3f: {  	_ =	shalt  }
0x40: {  	_ =	shalt  }
0x41: {  	_ =	shalt  }
0x42: {  	_ =	shalt  }
0x43: {  	_ =	shalt  }
0x44: {  	_ =	shalt  }
0x45: {  	_ =	shalt  }
0x46: {  	_ =	shalt  }
0x47: {  	_ =	shalt  }
0x48: {  	_ =	shalt  }
0x49: {  	_ =	shalt  }
0x4a: {  	_ =	shalt  }
0x4b: {  	_ =	shalt  }
0x4c: {  	_ =	shalt  }
0x4d: {  	_ =	shalt  }
0x4e: {  	_ =	shalt  }
0x4f: {  	_ =	shalt  }
0x50: {  	_ =	shalt  }
0x51: {  	_ =	shalt  }
0x52: {  	_ =	shalt  }
0x53: {  	_ =	shalt  }
0x54: {  	_ =	shalt  }
0x55: {  	_ =	shalt  }
0x56: {  	_ =	shalt  }
0x57: {  	_ =	shalt  }
0x58: {  	_ =	shalt  }
0x59: {  	_ =	shalt  }
0x5a: {  	_ =	shalt  }
0x5b: {  	_ =	shalt  }
0x5c: {  	_ =	shalt  }
0x5d: {  	_ =	shalt  }
0x5e: {  	_ =	shalt  }
0x5f: {  	_ =	shalt  }
0x60: {  	_ =	shalt  }
0x61: {  	_ =	shalt  }
0x62: {  	_ =	shalt  }
0x63: {  	_ =	shalt  }
0x64: {  	_ =	shalt  }
0x65: {  	_ =	shalt  }
0x66: {  	_ =	shalt  }
0x67: {  	_ =	shalt  }
0x68: {  	_ =	shalt  }
0x69: {  	_ =	shalt  }
0x6a: {  	_ =	shalt  }
0x6b: {  	_ =	shalt  }
0x6c: {  	_ =	shalt  }
0x6d: {  	_ =	shalt  }
0x6e: {  	_ =	shalt  }
0x6f: {  	_ =	shalt  }
0x70: {  	_ =	shalt  }
0x71: {  	_ =	shalt  }
0x72: {  	_ =	shalt  }
0x73: {  	_ =	shalt  }
0x74: {  	_ =	shalt  }
0x75: {  	_ =	shalt  }
0x76: {  	_ =	shalt  }
0x77: {  	_ =	shalt  }
0x78: {  	_ =	shalt  }
0x79: {  	_ =	shalt  }
0x7a: {  	_ =	shalt  }
0x7b: {  	_ =	shalt  }
0x7c: {  	_ =	shalt  }
0x7d: {  	_ =	shalt  }
0x7e: {  	_ =	shalt  }
0x7f: {  	_ =	shalt  }
0x80: {  	_ =	shalt  }
0x81: {  	_ =	shalt  }
0x82: {  	_ =	shalt  }
0x83: {  	_ =	shalt  }
0x84: {  	_ =	shalt  }
0x85: {  	_ =	shalt  }
0x86: {  	_ =	shalt  }
0x87: {  	_ =	shalt  }
.Lfunc_end0:
.L_simem_size_0:
called_computation_lowered:
.L_overlay_start_0:
0x88: {  	s2 =	sld [smem:$0x3FD9]  }
0x89: {  	s3 =	sld [smem:$0x3FFE];
	_ =	sdelay $0x1  }
0x8a: {  	s1 =	srdreg.scid  }
0x8b: {  	s0 =	sand.u32 $0x1, s1  }
0x8c: {  	s16 =	sshll.u32 s0, $0xA;
	s2 =	sadd.s32 s3, s2  }
0x8d: {  	s2 =	sadd.s32 s2, s16  }
0x8e: {  	[smem:$0x3FC4] =	sst s2  }
0x8f: {  	_ = 	snop  }
0x90: {  	(tm) =	ssettm $0x1  }
0x91: {  	s17 =	sld [smem:$0x3FFB];
	_ =	sdelay $0x3  }
0x92: {  	_ =	strace s17  }
0x93: {  	s2 =	sld [smem:$0x3FFC];
	_ =	sdelay $0x3  }
0x94: {  	_ =	strace s2  }
0x95: {  	s2 =	sld [smem:$0x3FFD];
	_ =	sdelay $0x3  }
0x96: {  	_ =	strace s2  }
0x97: {  	_ =	strace $0x8FFFFFFF  }
0x98: {  	s18 =	sld [smem:$0x3FDB];
	_ =	sdelay $0x1  }
0x99: {  	s19 =	simm.s32 $_scs_section_size  }
0x9a: {  	s4 =	simm.s32 $_size__tile_overlayer_lowered;
	s5 =	simm.s32 $_tile_overlayer_lowered  }
0x9b: {  	s22 =	simm.s32 $0x1BFF;
	s21 =	sshll.u32 s5, $0x1;
	s2 =	sadd.s32 s19, s18  }
0x9c: {  	s6 =	simm.s32 $0x0;
	s20 =	sshll.u32 s4, $0x1;
	s4 =	sadd.s32 s21, s2  }
0x9d: {  	[timem:s6], [sflag:s22] =	dma.local [hbm:s4], s20  }
0x9e: {  	_ =	swait.ge [sflag:s22], s20  }
0x9f: {  	s3 =	ssub.s32 $0x0, s20;
	[sflag:s22] =	ssyncset.done $0x0  }
0xa0: {  	[sflag:s22] =	ssyncadd.s32 s3;
	_ =	sdelay $0x1  }
0xa1: {  	s23 =	simm.s32 $0x1B8B  }
0xa2: {  	_ =	swait.ge [sflag:s23], $0x1  }
0xa3: {  	[sflag:s23] =	ssyncset.done $0x0  }
0xa4: {  	s25 =	simm.s32 $0x1B8E;
	s24 =	sld [smem:$0x3FFE];
	[sflag:s23] =	ssyncadd.s32 $0xFFFFFFFF  }
0xa5: {  	s26 =	simm.s32 $execute0_lowered;
	[smem:$0x3FD2] =	sst s25  }
0xa6: {  	s4 =	sshll.u32 s26, $0x1;
	_ =	strace $0x80000046;
	[dreg:$0x1] =	wrdreg $0xFFFFFFFF  }
0xa7: {  	s28 =	simm.s32 $_size_execute0_lowered;
	s2 =	sadd.s32 s2, s4;
	[dreg:$0x0] =	wrdreg $0x0  }
0xa8: {  	s4 =	sshll.u32 s28, $0x1;
	[dreg:$0x2] =	wrdreg s2  }
0xa9: {  	[dreg:$0x3] =	wrdreg s4  }
0xaa: {  	[dreg:$0x4] =	wrdreg $0xC0  }
0xab: {  	_ =	task [dreg:s6], $0x5FFFF  }
0xac: {  	[dreg:$0x1] =	wrdreg $0xFFFFFFFF  }
0xad: {  	[dreg:$0x0] =	wrdreg $0x60  }
0xae: {  	[dreg:$0x2] =	wrdreg s24  }
0xaf: {  	[dreg:$0x3] =	wrdreg $0x9  }
0xb0: {  	_ =	task.clear_ibuf [dreg:s6], $0x4FFFF;
	_ =	strace $0x90000046  }
0xb1: {  	s29 =	simm.s32 $0x9;
	_ =	strace $0x80000048  }
0xb2: {  	_ =	swait.ge [sflag:s29], $0x1  }
0xb3: {  	[sflag:s29] =	ssyncadd.s32 $0xFFFFFFFF  }
0xb4: {  	_ =	strace $0x90000048  }
0xb5: {  	_ =	sfence  }
0xb6: {  	s30 =	sld [smem:$0x0];
	_ =	sdelay $0x2  }
0xb7: {  	s31 =	sshll.u32 s1, $0xD;
	s1 =	sshrl.u32 s1, $0x2  }
0xb8: {  	s3 =	sand.u32 $0x4000, s31;
	s1 =	sadd.s32 s1, s30  }
0xb9: {  	s0 =	sor.u32 s3, s0;
	s1 =	sshll.u32 s1, $0x11  }
0xba: {  	s0 =	sor.u32 s1, s0  }
0xbb: {  	s0 =	sadd.s32 $0x8F2B, s0  }
0xbc: {  	[sflag:s0] =	ssyncadd.remote.s32 $0x1  }
0xbd: {  	_ =	sfence.sel $0xFFFF  }
0xbe: {  	[dreg:$0x0] =	wrdreg $0xFFFFFFFF;
	(pc) =	sbr.abs _section_cstart, $3  }
0xbf: {  	[dreg:$0x1] =	wrdreg $0xFFFFFFFF  }
0xc0: {  	_ =	task.clear_ibuf [dreg:s6], $0x2FFFF;
	_ =	strace $0x9FFFFFFF  }
0xc1: {  	(tm) =	ssettm $0x7FFFFFFF  }
tec
execute0_lowered:
.L_overlay_start_1:
0x0: {  	(tag) =	ssettag $0x1  }
0x1: {  	s3 =	rddreg [dreg:$0x0]  }
0x2: {  	s0 =	rddreg [dreg:$0x1];
	s1 =	simm.s32 $0x0;
	s2 =	srdreg.scid  }
0x3: {  	s11 =	simm.s32 $0x400;
	s12 =	simm.s32 $0x1;
	s13 =	simm.s32 $0x1000  }
0x4: {  	s14 =	simm.s32 $0x2000;
	s15 =	simm.s32 $0x4000;
	s16 =	simm.s32 $0x6080  }
0x5: {  	s17 =	simm.s32 $0x0;
	[smem:$0x7FF] =	sst s1;
	s4 =	sand.u32 $0x1, s2  }
0x6: {  	s2 =	stileid.u32;
	s9 =	sadd.s32 $0x200000, s3;
	_ =	strace $0x80000047  }
0x7: {  	s5 =	ssub.s32 $0x2, s4;
	s7 =	sshll.u32 s2, $0xF;
	s8 =	sshll.u32 s2, $0x4  }
0x8: {  	p0 =	seq.s32 s4, $0x1;
	s6 =	sshrl.u32 s5, $0x1;
	s28 =	sor.u32 s8, s7  }
.Ltmp0:
0x9: {  	s29 =	sand.u32 $0x70, s8;
	s30 =	sand.u32 $0x80, s8;
	(pc) =	sbr.rel .LBB2_1-.Ltmp0, $4  }
0xa: {  	v0 =	vlaneseq.u32;
	s8 =	sadd.s32 s8, s9;
	s10 =	ssub.s32 s5, s6;
	s5 =	sand.u32 $0x40070, s28  }
0xb: {  	v3 =	vmul.u32 $0xFFFFFFFF, v0;
	s31 =	sadd.s32 s9, s29;
	s8 =	sadd.s32 $0x100, s8;
	s3 =	sadd.s32 s3, s5  }
0xc: {  	v1 =	vimm.f32 $0.0e+00;
	v2 =	vimm.f32 $1.000000000e+00;
	vm0 =	vmmov $0x1;
	s5 =	sadd.s32 s30, s31;
	s9 =	smax.u32 s10, $0x1;
	s10 =	simm.s32 $0x80  }
0xd: {  	vm1 =	vcmask $0x31C;
	vm2 =	vcmask $0x71C;
	v3 =	vadd.s32 $0xF, v3;
	s4 =	sadd.s32 $0x100000, s3;
	s6 =	sadd.s32 $0x80000, s3;
	s7 =	sadd.s32 $0x180000, s3  }
.LBB2_12:
0xe: {  	s22 =	simm.f32 $0.0e+00;
	s20 =	smov.u32 s5  }
.LBB2_30:
0xf: {  	v7 =	vld [tilespmem:s19+$0x2000];
	_ =	sdelay $0x4  }
0x10: {  	(xrf2) =	vadd.scan.msk.f32 $0xffff, v7;
	_ =	sdelay $0x9  }
0x11: {  	v8, _, _ =	vpop (xrf2)  }
0x12: {  	(v2sf) =	vpush v8, $0xF;
	_ =	sdelay $0x2  }
0x13: {  	v8 =	vld [tilespmem:s19+$0x4000];
	_ =	sdelay $0x3  }
0x14: {  	v7 =	vperm.xlane v7, v3  }
0x15: {  	(xrf2) =	vadd.scan.msk.f32 $0xffff, v8  }
0x16: {  	(xrf2) =	vadd.scan.msk.f32 $0xffff, v7;
	_ =	sdelay $0x4  }
0x17: {  	v8 =	vperm.xlane v8, v3  }
0x18: {  	s29 =	spop (v2sf)  }
0x19: {  	(xrf2) =	vadd.scan.msk.f32 $0xffff, v8;
	s19 =	ssub.f32 s21, s29;
	_ =	sdelay $0x1  }
0x1a: {  	v9, _, _ =	vpop (xrf2);
	s23 =	ssub.f32 s18, s19  }
0x1b: {  	v10, _, _ =	vpop (xrf2)  }
0x1c: {  	vm3 =	vge.f32 v10, s23  }
0x1d: {  	v11 =	vmctz.xlane vm3;
	_ =	sdelay $0x1  }
0x1e: {  	vm3 =	veq.s32 v11, v0  }
0x1f: {  	v7 =	vnsel vm3, $0x0, v7  }
0x20: {  	(xrf2) =	vadd.scan.msk.f32 $0xffff, v7;
	v7 =	vnsel vm3, $0x0, v8  }
0x21: {  	v8, _, _ =	vpop (xrf2);
	(xrf2) =	vadd.scan.msk.f32 $0xffff, v7;
	v7 =	vnsel vm3, $0x0, v10  }
0x22: {  	(xrf2) =	vadd.scan.msk.f32 $0xffff, v7;
	v7 =	vnsel vm3, $0x0, v8  }
0x23: {  	(xrf2) =	vadd.scan.msk.f32 $0xffff, v7;
	_ =	sdelay $0x6  }
0x24: {  	(v2sf) =	vpush v9, $0xF;
	v7, _, _ =	vpop (xrf2)  }
0x25: {  	v8, _, _ =	vpop (xrf2);
	(v2sf) =	vpush v7, $0xF  }
0x26: {  	v7, _, _ =	vpop (xrf2);
	(v2sf) =	vpush v8, $0xF  }
0x27: {  	(v2sf) =	vpush v7, $0xF;
	v7, _, _ =	vpop (xrf2)  }
0x28: {  	(v2sf) =	vpush v7, $0xF;
	_ =	sdelay $0xa  }
0x29: {  	s30 =	spop (v2sf)  }
0x2a: {  	s18 =	spop (v2sf)  }
0x2b: {  	s19 =	spop (v2sf)  }
0x2c: {  	s24 =	spop (v2sf)  }
0x2d: {  	s21 =	ssub.f32 s22, s30;
	s31 =	spop (v2sf)  }
0x2e: {  	s22 =	ssub.f32 s31, s19  }
0x2f: {  	s24 =	ssub.f32 s24, s18  }
0x30: {  	s21 =	sadd.f32 s22, s21  }
0x31: {  	s22 =	ssub.f32 s23, s24  }
.LBB2_31:
0x32: {  	v6 =	vbroadcast v6, $0xF  }
0x33: {  	v4 =	vbroadcast v4, $0xF  }
0x34: {  	v5 =	vbroadcast v5, $0xF;
	v6 =	vnsel vm0, $0x0, v6  }
0x35: {  	v4 =	vsel vm1, v6, v4  }
0x36: {  	vm3 =	veq.s32 v0, $0x3;
	v4 =	vsel vm2, v4, v5  }
0x37: {  	v4 =	vsel vm3, s21, v4;
	vm3 =	veq.s32 v0, $0x4  }
0x38: {  	v4 =	vsel vm3, s22, v4;
	vm3 =	veq.s32 v0, $0x5  }
0x39: {  	s17 =	sadd.s32 $0x1, s17;
	v4 =	vsel vm3, s19, v4;
	vm3 =	veq.s32 v0, $0x6  }
0x3a: {  	p1 =	sne.s32 s17, s9;
	v4 =	vsel vm3, s18, v4  }
.Ltmp1:
0x3b: {  	[tilespmem:$0x6080] =	vst v4;
	(pc) =	sbr.rel @!p1 .LBB2_32-.Ltmp1, $4  }
0x3c: {  	[hbm4b:s20+s1] =	stream.linear.scatter [tilespmem:s16], [sflag:$0x1], $0x80, $0x38;
	[tilespmem:$0x6100] =	vst v63  }
0x3d: {  	_ =	swait.ge [sflag:s12], $0x80  }
0x3e: {  	[sflag:s12] =	ssyncset.done $0x0  }
0x3f: {  	[sflag:s12] =	ssyncadd.s32 $0xFFFFFF80  }
.LBB2_1:
.Ltmp2:
0x40: {  	(pc) =	sbr.rel @!p0 .LBB2_2-.Ltmp2, $2  }
0x41: {  	_ =	sdelay $0x2  }
0x42: {  	s18 =	simm.s32 $0x40;
	s19 =	simm.s32 $0x0  }
.LBB2_16:
0x43: {  	p1 =	sne.s32 s18, $0x7FC0;
	[tilespmem:s19+$0x2000] =	vst v1;
	s20 =	smov.u32 s18;
	s18 =	sadd.s32 $0x40, s18  }
.Ltmp3:
0x44: {  	[tilespmem:s19+$0x4000] =	vst v1;
	(pc) =	sbr.rel @p1 .LBB2_16-.Ltmp3, $2  }
0x45: {  	_ =	sdelay $0x2  }
0x46: {  	s19 =	sshra.s32 s20, $0x2  }
0x47: {  	[tilespmem:s19+$0x2000] =	vst v1  }
0x48: {  	[tilespmem:s19+$0x4000] =	vst v1  }
0x49: {  	s18 =	simm.s32 $0x0;
	s19 =	simm.s32 $0x0;
	[tilespmem:$0x6000] =	vst v1  }
.LBB2_18:
0x4a: {  	s20 =	sshll.u32 s19, $0xC  }
0x4b: {  	s21 =	sadd.s32 s20, s6  }
0x4c: {  	[tilespmem:s18], [sflag:$0x1] =	stream.strided.gather [hbm4b:s21+s10], $0x1000, s11, s10, $0x38;
	[tilespmem:$0x6100] =	vst v63  }
0x4d: {  	_ =	swait.ge [sflag:s12], $0x1000  }
0x4e: {  	[sflag:s12] =	ssyncset.done $0x0  }
0x4f: {  	s20 =	sadd.s32 s20, s7;
	[sflag:s12] =	ssyncadd.s32 $0xFFFFF000  }
0x50: {  	[tilespmem:s13], [sflag:$0x1] =	stream.strided.gather [hbm4b:s20+s10], $0x1000, s11, s10, $0x38;
	[tilespmem:$0x6100] =	vst v63  }
0x51: {  	_ =	swait.ge [sflag:s12], $0x1000  }
0x52: {  	[sflag:s12] =	ssyncset.done $0x0  }
0x53: {  	s31 =	simm.s32 $0x0;
	[sflag:s12] =	ssyncadd.s32 $0xFFFFF000  }
0x54: {  	v5 =	vld [tilespmem:s31+$0x0]  }
0x55: {  	v4 =	vld [tilespmem:s31+$0x1000];
	_ =	sdelay $0x4  }
0x56: {  	v4 =	vsub.f32 v4, v5;
	_ =	sdelay $0x1  }
0x57: {  	v4 =	vmul.f32 v4, v4  }
0x58: {  	v6 =	vld [tilespmem:$0x6000]  }
0x59: {  	v7 =	vmul.f32 $8.192000000e+03, v4;
	_ =	sdelay $0x1  }
0x5a: {  	v7 =	vtrunc.f32 v7  }
0x5b: {  	v7 =	vcvt.f32.s32 v7  }
0x5c: {  	v6 =	vadd.f32 v4, v6  }
0x5d: {  	vm3 =	vlt.f32 v5, $1.000000010e-01;
	vm4 =	vlt.s32 v7, $0x1FFF  }
0x5e: {  	s20 =	simm.s32 $0x40;
	[tilespmem:$0x6000] =	vst v6;
	v5 =	vnsel vm4, $0x1FFF, v7  }
.LBB2_19:
0x5f: {  	_ =	sdelay $0x3  }
0x60: {  	p1 =	sne.s32 s20, $0x3FC0;
	[tilespmem:v5+s14+$0x0] =	vst.idx.add.f32.msk vm3, v2;
	s21 =	smov.u32 s20;
	s20 =	sadd.s32 $0x40, s20  }
0x61: {  	s21 =	sshra.s32 s21, $0x2;
	[tilespmem:v5+s15+$0x0] =	vst.idx.add.f32.msk vm3, v4  }
0x62: {  	v5 =	vld [tilespmem:s21+$0x0]  }
0x63: {  	v4 =	vld [tilespmem:s21+$0x1000];
	_ =	sdelay $0x3  }
0x64: {  	v6 =	vld [tilespmem:$0x6000]  }
0x65: {  	v4 =	vsub.f32 v4, v5;
	_ =	sdelay $0x1  }
0x66: {  	v4 =	vmul.f32 v4, v4;
	_ =	sdelay $0x1  }
0x67: {  	v6 =	vadd.f32 v4, v6;
	v7 =	vmul.f32 $8.192000000e+03, v4;
	_ =	sdelay $0x1  }
.Ltmp4:
0x68: {  	[tilespmem:$0x6000] =	vst v6;
	v6 =	vtrunc.f32 v7;
	(pc) =	sbr.rel @p1 .LBB2_19-.Ltmp4, $4  }
0x69: {  	v6 =	vcvt.f32.s32 v6  }
0x6a: {  	vm3 =	vlt.f32 v5, $1.000000010e-01  }
0x6b: {  	vm4 =	vlt.s32 v6, $0x1FFF  }
0x6c: {  	v5 =	vnsel vm4, $0x1FFF, v6  }
0x6d: {  	s19 =	sadd.s32 $0x1, s19  }
0x6e: {  	p1 =	sne.s32 s19, $0x40  }
.Ltmp5:
0x6f: {  	_ = 	snop;
	(pc) =	sbr.rel @p1 .LBB2_18-.Ltmp5, $3  }
0x70: {  	_ =	sdelay $0x1  }
0x71: {  	[tilespmem:v5+s14+$0x0] =	vst.idx.add.f32.msk vm3, v2  }
0x72: {  	[tilespmem:v5+s15+$0x0] =	vst.idx.add.f32.msk vm3, v4  }
0x73: {  	s19 =	simm.s32 $0x0  }
0x74: {  	v6 =	vld [tilespmem:s19+$0x4000]  }
0x75: {  	v5 =	vimm.f32 $0.0e+00;
	s18 =	simm.s32 $0x40;
	v4 =	vimm.f32 $0.0e+00;
	v7 =	vld [tilespmem:s19+$0x2000]  }
.LBB2_22:
0x76: {  	p1 =	sne.s32 s18, $0x7FC0  }
.Ltmp6:
0x77: {  	_ = 	snop;
	(pc) =	sbr.rel @p1 .LBB2_22-.Ltmp6, $4  }
0x78: {  	_ = 	snop  }
0x79: {  	s19 =	sshra.s32 s18, $0x2;
	s18 =	sadd.s32 $0x40, s18;
	v5 =	vadd.f32 v6, v5  }
0x7a: {  	v6 =	vld [tilespmem:s19+$0x4000];
	v4 =	vadd.f32 v7, v4  }
0x7b: {  	v7 =	vld [tilespmem:s19+$0x2000]  }
0x7c: {  	_ =	sdelay $0x3  }
0x7d: {  	v4 =	vadd.f32 v7, v4;
	_ =	sdelay $0x1  }
0x7e: {  	(xrf2) =	vadd.scan.msk.f32 $0xffff, v4;
	_ =	sdelay $0x9  }
0x7f: {  	v4, _, _ =	vpop (xrf2)  }
0x80: {  	(v2sf) =	vpush v4, $0xF;
	_ =	sdelay $0xb  }
0x81: {  	v7 =	vld [tilespmem:$0x6000];
	_ =	sdelay $0x1  }
0x82: {  	v5 =	vadd.f32 v6, v5  }
0x83: {  	s19 =	spop (v2sf)  }
0x84: {  	(xrf2) =	vadd.scan.msk.f32 $0xffff, v5;
	s18 =	ssub.f32 $2.621440000e+05, s19  }
0x85: {  	(xrf2) =	vadd.scan.msk.f32 $0xffff, v7  }
0x86: {  	p1 =	seq.f32 s18, $0.0e+00;
	s18 =	smul.f32 $3.000000000e+00, s18  }
0x87: {  	_ = 	snop  }
0x88: {  	p2 =	sge.f32 @!p1 s19, s18;
	_ =	sdelay $0x1  }
0x89: {  	p2 =	por p1, p2  }
.Ltmp7:
0x8a: {  	_ = 	snop;
	(pc) =	sbr.rel @p2 .LBB2_25-.Ltmp7, $3  }
0x8b: {  	_ =	sdelay $0x1  }
0x8c: {  	v5, _, _ =	vpop (xrf2)  }
0x8d: {  	s21 =	simm.f32 $0.0e+00;
	v6, _, _ =	vpop (xrf2)  }
.Ltmp8:
0x8e: {  	(pc) =	sbr.rel .LBB2_31-.Ltmp8, $3  }
0x8f: {  	_ =	sdelay $0x1  }
0x90: {  	s22 =	simm.f32 $0.0e+00  }
0x91: {  	s19 =	simm.f32 $0.0e+00;
	s18 =	simm.f32 $0.0e+00;
	s20 =	smov.u32 s8  }
.LBB2_2:
0x92: {  	p1 =	sne.s32 s18, $0x7FC0;
	[tilespmem:s19+$0x2000] =	vst v1;
	s20 =	smov.u32 s18;
	s18 =	sadd.s32 $0x40, s18  }
.Ltmp9:
0x93: {  	[tilespmem:s19+$0x4000] =	vst v1;
	(pc) =	sbr.rel @p1 .LBB2_2-.Ltmp9, $2  }
0x94: {  	_ =	sdelay $0x2  }
0x95: {  	s19 =	sshra.s32 s20, $0x2  }
0x96: {  	[tilespmem:s19+$0x2000] =	vst v1  }
0x97: {  	[tilespmem:s19+$0x4000] =	vst v1  }
0x98: {  	s18 =	simm.s32 $0x0;
	s19 =	simm.s32 $0x0;
	[tilespmem:$0x6000] =	vst v1  }
.LBB2_4:
0x99: {  	s20 =	sshll.u32 s19, $0xC  }
0x9a: {  	s21 =	sadd.s32 s20, s3  }
0x9b: {  	[tilespmem:s18], [sflag:$0x1] =	stream.strided.gather [hbm4b:s21+s10], $0x1000, s11, s10, $0x38;
	[tilespmem:$0x6100] =	vst v63  }
0x9c: {  	_ =	swait.ge [sflag:s12], $0x1000  }
0x9d: {  	[sflag:s12] =	ssyncset.done $0x0  }
0x9e: {  	s20 =	sadd.s32 s20, s4;
	[sflag:s12] =	ssyncadd.s32 $0xFFFFF000  }
0x9f: {  	[tilespmem:s13], [sflag:$0x1] =	stream.strided.gather [hbm4b:s20+s10], $0x1000, s11, s10, $0x38;
	[tilespmem:$0x6100] =	vst v63  }
0xa0: {  	_ =	swait.ge [sflag:s12], $0x1000  }
0xa1: {  	[sflag:s12] =	ssyncset.done $0x0  }
0xa2: {  	s31 =	simm.s32 $0x0;
	[sflag:s12] =	ssyncadd.s32 $0xFFFFF000  }
0xa3: {  	v5 =	vld [tilespmem:s31+$0x0]  }
0xa4: {  	v4 =	vld [tilespmem:s31+$0x1000];
	_ =	sdelay $0x4  }
0xa5: {  	v4 =	vsub.f32 v4, v5;
	_ =	sdelay $0x1  }
0xa6: {  	v4 =	vmul.f32 v4, v4  }
0xa7: {  	v6 =	vld [tilespmem:$0x6000]  }
0xa8: {  	v7 =	vmul.f32 $8.192000000e+03, v4;
	_ =	sdelay $0x1  }
0xa9: {  	v7 =	vtrunc.f32 v7  }
0xaa: {  	v7 =	vcvt.f32.s32 v7  }
0xab: {  	v6 =	vadd.f32 v4, v6  }
0xac: {  	vm3 =	vlt.f32 v5, $1.000000010e-01;
	vm4 =	vlt.s32 v7, $0x1FFF  }
0xad: {  	s20 =	simm.s32 $0x40;
	[tilespmem:$0x6000] =	vst v6;
	v5 =	vnsel vm4, $0x1FFF, v7  }
.LBB2_5:
0xae: {  	_ =	sdelay $0x3  }
0xaf: {  	p1 =	sne.s32 s20, $0x3FC0;
	[tilespmem:v5+s14+$0x0] =	vst.idx.add.f32.msk vm3, v2;
	s21 =	smov.u32 s20;
	s20 =	sadd.s32 $0x40, s20  }
0xb0: {  	s21 =	sshra.s32 s21, $0x2;
	[tilespmem:v5+s15+$0x0] =	vst.idx.add.f32.msk vm3, v4  }
0xb1: {  	v5 =	vld [tilespmem:s21+$0x0]  }
0xb2: {  	v4 =	vld [tilespmem:s21+$0x1000];
	_ =	sdelay $0x3  }
0xb3: {  	v6 =	vld [tilespmem:$0x6000]  }
0xb4: {  	v4 =	vsub.f32 v4, v5;
	_ =	sdelay $0x1  }
0xb5: {  	v4 =	vmul.f32 v4, v4;
	_ =	sdelay $0x1  }
0xb6: {  	v6 =	vadd.f32 v4, v6;
	v7 =	vmul.f32 $8.192000000e+03, v4;
	_ =	sdelay $0x1  }
.Ltmp10:
0xb7: {  	[tilespmem:$0x6000] =	vst v6;
	v6 =	vtrunc.f32 v7;
	(pc) =	sbr.rel @p1 .LBB2_5-.Ltmp10, $4  }
0xb8: {  	v6 =	vcvt.f32.s32 v6  }
0xb9: {  	vm3 =	vlt.f32 v5, $1.000000010e-01  }
0xba: {  	vm4 =	vlt.s32 v6, $0x1FFF  }
0xbb: {  	v5 =	vnsel vm4, $0x1FFF, v6  }
0xbc: {  	s19 =	sadd.s32 $0x1, s19  }
0xbd: {  	p1 =	sne.s32 s19, $0x40  }
.Ltmp11:
0xbe: {  	_ = 	snop;
	(pc) =	sbr.rel @p1 .LBB2_4-.Ltmp11, $3  }
0xbf: {  	_ =	sdelay $0x1  }
0xc0: {  	[tilespmem:v5+s14+$0x0] =	vst.idx.add.f32.msk vm3, v2  }
0xc1: {  	[tilespmem:v5+s15+$0x0] =	vst.idx.add.f32.msk vm3, v4  }
0xc2: {  	s19 =	simm.s32 $0x0  }
0xc3: {  	v6 =	vld [tilespmem:s19+$0x4000]  }
0xc4: {  	v5 =	vimm.f32 $0.0e+00;
	s18 =	simm.s32 $0x40;
	v4 =	vimm.f32 $0.0e+00;
	v7 =	vld [tilespmem:s19+$0x2000]  }
.LBB2_8:
0xc5: {  	p1 =	sne.s32 s18, $0x7FC0  }
.Ltmp12:
0xc6: {  	_ = 	snop;
	(pc) =	sbr.rel @p1 .LBB2_8-.Ltmp12, $4  }
0xc7: {  	_ = 	snop  }
0xc8: {  	s19 =	sshra.s32 s18, $0x2;
	s18 =	sadd.s32 $0x40, s18;
	v5 =	vadd.f32 v6, v5  }
0xc9: {  	v6 =	vld [tilespmem:s19+$0x4000];
	v4 =	vadd.f32 v7, v4  }
0xca: {  	v7 =	vld [tilespmem:s19+$0x2000]  }
0xcb: {  	_ =	sdelay $0x3  }
0xcc: {  	v4 =	vadd.f32 v7, v4;
	_ =	sdelay $0x1  }
0xcd: {  	(xrf2) =	vadd.scan.msk.f32 $0xffff, v4;
	_ =	sdelay $0x9  }
0xce: {  	v4, _, _ =	vpop (xrf2)  }
0xcf: {  	(v2sf) =	vpush v4, $0xF;
	_ =	sdelay $0xb  }
0xd0: {  	v7 =	vld [tilespmem:$0x6000];
	_ =	sdelay $0x1  }
0xd1: {  	v5 =	vadd.f32 v6, v5  }
0xd2: {  	s19 =	spop (v2sf)  }
0xd3: {  	(xrf2) =	vadd.scan.msk.f32 $0xffff, v5;
	s18 =	ssub.f32 $2.621440000e+05, s19  }
0xd4: {  	(xrf2) =	vadd.scan.msk.f32 $0xffff, v7  }
0xd5: {  	p1 =	seq.f32 s18, $0.0e+00;
	s18 =	smul.f32 $3.000000000e+00, s18  }
0xd6: {  	_ = 	snop  }
0xd7: {  	p2 =	sge.f32 @!p1 s19, s18;
	_ =	sdelay $0x1  }
0xd8: {  	p2 =	por p1, p2  }
.Ltmp13:
0xd9: {  	_ = 	snop;
	(pc) =	sbr.rel @p2 .LBB2_11-.Ltmp13, $3  }
0xda: {  	_ =	sdelay $0x1  }
0xdb: {  	v5, _, _ =	vpop (xrf2)  }
0xdc: {  	s21 =	simm.f32 $0.0e+00;
	v6, _, _ =	vpop (xrf2)  }
.Ltmp14:
0xdd: {  	(pc) =	sbr.rel .LBB2_31-.Ltmp14, $3  }
0xde: {  	_ =	sdelay $0x1  }
0xdf: {  	s22 =	simm.f32 $0.0e+00  }
0xe0: {  	s19 =	simm.f32 $0.0e+00;
	s18 =	simm.f32 $0.0e+00;
	s20 =	smov.u32 s5  }
.LBB2_25:
0xe1: {  	s18 =	simm.s32 @p1 $0x42480000  }
0xe2: {  	p1 =	sgt.f32 s18, $0.0e+00  }
.Ltmp15:
0xe3: {  	_ = 	snop;
	(pc) =	sbr.rel @!p1 .LBB2_26-.Ltmp15, $2  }
0xe4: {  	_ =	sdelay $0x2  }
0xe5: {  	s21 =	simm.f32 $0.0e+00;
	s19 =	simm.s32 $0x2000  }
0xe6: {  	s20 =	simm.s32 $0x3FF0;
	s22 =	simm.s32 $0x5FF0;
	s23 =	simm.f32 $0.0e+00  }
.LBB2_28:
0xe7: {  	v7 =	vld [tilespmem:s20+$0x0];
	_ =	sdelay $0x4  }
0xe8: {  	(xrf2) =	vadd.scan.msk.f32 $0xffff, v7;
	_ =	sdelay $0x3  }
0xe9: {  	v8 =	vld [tilespmem:s22+$0x0];
	_ =	sdelay $0x4  }
0xea: {  	(xrf2) =	vadd.scan.msk.f32 $0xffff, v8  }
0xeb: {  	v7, _, _ =	vpop (xrf2)  }
0xec: {  	(v2sf) =	vpush v7, $0xF;
	_ =	sdelay $0x7  }
0xed: {  	v7, _, _ =	vpop (xrf2)  }
0xee: {  	(v2sf) =	vpush v7, $0xF;
	_ =	sdelay $0x5  }
0xef: {  	s24 =	spop (v2sf)  }
0xf0: {  	s23 =	sadd.f32 s24, s23  }
0xf1: {  	p1 =	seq.s32 s19, $0x10  }
0xf2: {  	p2 =	slt.f32 @!p1 s23, s18;
	_ =	sdelay $0x1  }
0xf3: {  	p2 =	por p1, !p2  }
.Ltmp16:
0xf4: {  	_ = 	snop;
	(pc) =	sbr.rel @!p2 .LBB2_28-.Ltmp16, $3  }
0xf5: {  	_ =	sdelay $0x1  }
0xf6: {  	s19 =	sadd.s32 $0xFFFFFFF0, s19;
	s31 =	spop (v2sf)  }
0xf7: {  	s20 =	sadd.s32 $0xFFFFFFF0, s20;
	s22 =	sadd.s32 $0xFFFFFFF0, s22;
	s21 =	sadd.f32 s31, s21  }
.Ltmp17:
0xf8: {  	(pc) =	sbr.rel .LBB2_30-.Ltmp17, $4  }
0xf9: {  	_ = 	snop  }
0xfa: {  	s19 =	smov.u32 @p1 s19;
	s23 =	smov.u32 @p1 s23  }
0xfb: {  	s20 =	smov.u32 s8;
	s18 =	smov.u32 @p1 s18;
	s22 =	smov.u32 s21  }
0xfc: {  	v6 =	vpsel p1, v6, v6;
	v4 =	vpsel p1, v4, v4;
	v5 =	vpsel p1, v5, v5;
	s20 =	smov.u32 @p1 s8;
	s22 =	smov.u32 @p1 s21;
	s21 =	smov.u32 s23  }
.LBB2_11:
0xfd: {  	s18 =	simm.s32 @p1 $0x42480000  }
0xfe: {  	p1 =	sgt.f32 s18, $0.0e+00  }
.Ltmp18:
0xff: {  	_ = 	snop;
	(pc) =	sbr.rel @!p1 .LBB2_12-.Ltmp18, $2  }
0x100: {  	_ =	sdelay $0x2  }
0x101: {  	s21 =	simm.f32 $0.0e+00;
	s19 =	simm.s32 $0x2000  }
0x102: {  	s20 =	simm.s32 $0x3FF0;
	s22 =	simm.s32 $0x5FF0;
	s23 =	simm.f32 $0.0e+00  }
.LBB2_14:
0x103: {  	v7 =	vld [tilespmem:s20+$0x0];
	_ =	sdelay $0x4  }
0x104: {  	(xrf2) =	vadd.scan.msk.f32 $0xffff, v7;
	_ =	sdelay $0x3  }
0x105: {  	v8 =	vld [tilespmem:s22+$0x0];
	_ =	sdelay $0x4  }
0x106: {  	(xrf2) =	vadd.scan.msk.f32 $0xffff, v8  }
0x107: {  	v7, _, _ =	vpop (xrf2)  }
0x108: {  	(v2sf) =	vpush v7, $0xF;
	_ =	sdelay $0x7  }
0x109: {  	v7, _, _ =	vpop (xrf2)  }
0x10a: {  	(v2sf) =	vpush v7, $0xF;
	_ =	sdelay $0x5  }
0x10b: {  	s24 =	spop (v2sf)  }
0x10c: {  	s23 =	sadd.f32 s24, s23  }
0x10d: {  	p1 =	seq.s32 s19, $0x10  }
0x10e: {  	p2 =	slt.f32 @!p1 s23, s18;
	_ =	sdelay $0x1  }
0x10f: {  	p2 =	por p1, !p2  }
.Ltmp19:
0x110: {  	_ = 	snop;
	(pc) =	sbr.rel @!p2 .LBB2_14-.Ltmp19, $3  }
0x111: {  	_ =	sdelay $0x1  }
0x112: {  	s19 =	sadd.s32 $0xFFFFFFF0, s19;
	s31 =	spop (v2sf)  }
0x113: {  	s20 =	sadd.s32 $0xFFFFFFF0, s20;
	s22 =	sadd.s32 $0xFFFFFFF0, s22;
	s21 =	sadd.f32 s31, s21  }
.Ltmp20:
0x114: {  	(pc) =	sbr.rel .LBB2_30-.Ltmp20, $4  }
0x115: {  	_ = 	snop  }
0x116: {  	s19 =	smov.u32 @p1 s19;
	s23 =	smov.u32 @p1 s23  }
0x117: {  	s20 =	smov.u32 s5;
	s18 =	smov.u32 @p1 s18;
	s22 =	smov.u32 s21  }
0x118: {  	v6 =	vpsel p1, v6, v6;
	v4 =	vpsel p1, v4, v4;
	v5 =	vpsel p1, v5, v5;
	s20 =	smov.u32 @p1 s5;
	s22 =	smov.u32 @p1 s21;
	s21 =	smov.u32 s23  }
.LBB2_26:
.Ltmp21:
0x119: {  	(pc) =	sbr.rel .LBB2_30-.Ltmp21, $2  }
0x11a: {  	_ =	sdelay $0x2  }
0x11b: {  	s22 =	simm.f32 $0.0e+00;
	s20 =	smov.u32 s8  }
.LBB2_32:
0x11c: {  	_ =	sfence.sel $0x180000  }
0x11d: {  	[bflag:$0x0] =	sbarrier.arrive $0xFFFF  }
0x11e: {  	p0 =	sne.s32 s2, $0x0;
	_ =	strace $0x90000047  }
0x11f: {  	s0 =	sadd.s32 @!p0 $0x100000, s0;
	[bflag:$0x2] =	sbarrier.arrive $0xFFFF  }
0x120: {  	[sflag:s0] =	ssyncadd.tile.s32 @!p0 $0x1;
	_ =	shalt  }
.Lfunc_end2:
_tile_overlayer_lowered:
.L_overlay_start_2:
0x121: {  	(tag) =	ssettag $0x2  }
0x122: {  	s0 =	rddreg [dreg:$0x0];
	s2 =	stileid.u32  }
0x123: {  	s1 =	rddreg [dreg:$0x1];
	p0 =	sne.s32 s2, $0x0  }
0x124: {  	s3 =	rddreg [dreg:$0x2];
	[bflag:$0x3] =	sbarrier.arrive $0xFFFF;
	s2 =	simm.s32 @!p0 $0x1C01  }
0x125: {  	[timem:s3], [sflag:s2] =	dma.local @!p0 [hbm:s0], s1  }
0x126: {  	s0 =	simm.s32 @!p0 $0x1  }
0x127: {  	_ =	swait.ge @!p0 [sflag:s0], s1  }
0x128: {  	s1 =	ssub.s32 @!p0 $0x0, s1;
	[sflag:s0] =	ssyncset.done @!p0 $0x0  }
0x129: {  	[sflag:s0] =	ssyncadd.s32 @!p0 s1  }
0x12a: {  	[bflag:$0x3] =	sbarrier.arrive $0xFFFF  }
0x12b: {  	_ =	shalt  }

</sc_bundles>
